<compile_context>
chip_gen: v7x
topology: tpu7x:2x2x1
jax: 0.10.2.dev20260603
libtpu: 0.0.44.dev20260713+nightly
codegen_flags: <defaults>
</compile_context>

<pallas_src>
import jax
import jax.numpy as jnp
from jax import lax
from jax.experimental import pallas as pl
from jax.experimental.pallas import tpu as pltpu
from jax.experimental.pallas import tpu_sc as plsc

B, T, D = 16, 2048, 256
S = 256
WB = 3
L = 16
CHUNK = 32
NCH = S // CHUNK
GCH = 8


def _sc_body(rnn_hbm, char_hbm, out_hbm,
             char_v, idx_v, buf_v, zrows_v, sem_c, sem_g, sem_z, sem_o):
    cid = lax.axis_index("c")
    sid = lax.axis_index("s")
    b = sid
    delta = 1 - 2 * cid
    lane = lax.iota(jnp.int32, L)
    zeros = jnp.zeros((L,), dtype=jnp.float32)

    char_cp = pltpu.async_copy(char_hbm.at[b], char_v, sem_c)

    safe = jnp.full((L,), b * T, dtype=jnp.int32)
    for j in range(S // L):
        idx_v[pl.ds(j * L, L)] = safe

    @pl.loop(0, CHUNK)
    def _(r):
        for j in range(D // L):
            zrows_v[r, pl.ds(j * L, L)] = zeros

    def rows(c):
        return pl.multiple_of(c * CHUNK, CHUNK)

    def out_chunk(c):
        return out_hbm.at[b, pl.ds(rows(c), CHUNK), pl.ds(cid * D, D)]

    for c in range(2, NCH):
        pltpu.async_copy(zrows_v, out_chunk(c), sem_z)

    char_cp.wait()

    def scan_body(i, cnt_v):
        c = char_v[pl.ds(i * L, L)]
        p = i * L + lane
        q = p + delta
        m = (c == WB) & (q >= 0) & (q <= T - 1)
        slot = plsc.cumsum(m.astype(jnp.int32)) - 1 + cnt_v
        plsc.store_scatter(idx_v, [slot], q + b * T, mask=m)
        return cnt_v + plsc.all_reduce_population_count(m)

    cnt_v = lax.fori_loop(0, T // L, scan_body,
                          jnp.zeros((L,), jnp.int32), unroll=2)
    count = jnp.minimum(jnp.max(cnt_v), S)
    nch_g = (count + CHUNK - 1) // CHUNK
    ngc_g = (count + GCH - 1) // GCH

    def grows(c):
        return pl.multiple_of(c * GCH, GCH)

    @pl.loop(0, ngc_g)
    def _(c):
        pltpu.async_copy(rnn_hbm.at[idx_v.at[pl.ds(grows(c), GCH)]],
                         buf_v.at[pl.ds(grows(c), GCH)], sem_g)

    @pl.loop(jnp.minimum(nch_g, 2), 2)
    def _(c):
        pltpu.async_copy(zrows_v, out_chunk(c), sem_z)

    @pl.loop(0, ngc_g)
    def _(c):
        pltpu.make_async_copy(rnn_hbm.at[idx_v.at[pl.ds(grows(c), GCH)]],
                              buf_v.at[pl.ds(grows(c), GCH)], sem_g).wait()

    col_vecs = [j * L + lane for j in range(D // L)]
    rem = (CHUNK - count % CHUNK) % CHUNK

    @pl.loop(count, count + rem)
    def _(row):
        rvec = jnp.zeros((L,), dtype=jnp.int32) + row
        for cols in col_vecs:
            plsc.store_scatter(buf_v, [rvec, cols], zeros)

    @pl.loop(0, nch_g)
    def _(c):
        pltpu.async_copy(buf_v.at[pl.ds(rows(c), CHUNK)], out_chunk(c), sem_o)

    @pl.loop(jnp.minimum(nch_g, 2), NCH)
    def _(c):
        pltpu.make_async_copy(zrows_v, out_chunk(c), sem_z).wait()

    @pl.loop(0, nch_g)
    def _(c):
        pltpu.make_async_copy(buf_v.at[pl.ds(rows(c), CHUNK)],
                              out_chunk(c), sem_o).wait()


def kernel(rnn_out, char_seq, mask):
    del mask
    rnn2 = rnn_out.reshape(B * T, D)
    char_seq = char_seq.astype(jnp.int32)

    sc_kernel = pl.kernel(
        _sc_body,
        out_type=jax.ShapeDtypeStruct((B, S, 2 * D), jnp.float32),
        mesh=plsc.VectorSubcoreMesh(
            core_axis_name="c", subcore_axis_name="s",
            num_cores=2, num_subcores=16,
        ),
        scratch_types=[
            pltpu.VMEM((T,), jnp.int32),
            pltpu.VMEM((T,), jnp.int32),
            pltpu.VMEM((S + CHUNK, D), jnp.float32),
            pltpu.VMEM((CHUNK, D), jnp.float32),
            pltpu.SemaphoreType.DMA,
            pltpu.SemaphoreType.DMA,
            pltpu.SemaphoreType.DMA,
            pltpu.SemaphoreType.DMA,
        ],
        compiler_params=pltpu.CompilerParams(needs_layout_passes=False),
    )
    return sc_kernel(rnn2, char_seq)

# --- scband reference (transcript-rebuilt; emitter-appended) ---
"""Pipeline reference for scband-char-to-word-51393578664030 (READ-ONLY COPY).

The authoritative reference and input builder live on the scoring server;
editing this copy changes nothing except your own understanding.
"""

import jax, jax.numpy as jnp
import numpy as np

B, T, D = 16, 2048, 256
SEQ_LENGTH = 256
WORD_BORDER = 3
CHAR_VOCAB = 64


def setup_inputs(seed: int = 0) -> dict:
    key = jax.random.key(seed)
    k1, k2 = jax.random.split(key)
    rnn_out = jax.random.normal(k1, (B, T, D), dtype=jnp.float32)
    char_seq = jax.random.randint(k2, (B, T), 0, CHAR_VOCAB)
    mask = jnp.ones((B, T), dtype=bool)
    return {"rnn_out": rnn_out, "char_seq": char_seq, "mask": mask}


def _ragged_boolean_mask_to_tensor(rnn_out, m, seq_length):
    # Emulates tf.ragged.boolean_mask(rnn_out, m).to_tensor(0.0, shape=(B, seq_length, D)):
    # per row, compact the True positions (in order) to the front, pad with zeros,
    # then pad/truncate the time dim to seq_length.
    b, t, d = rnn_out.shape
    # stable argsort of ~m moves True positions to the front, preserving order
    order = jnp.argsort(jnp.logical_not(m), axis=1, stable=True)  # [b, t]
    gathered = jnp.take_along_axis(rnn_out, order[:, :, None], axis=1)  # [b, t, d]
    counts = jnp.sum(m.astype(jnp.int32), axis=1, keepdims=True)  # [b, 1]
    valid = jnp.arange(t)[None, :] < counts  # [b, t]
    gathered = jnp.where(valid[:, :, None], gathered, 0.0)
    if seq_length <= t:
        return gathered[:, :seq_length, :]
    return jnp.pad(gathered, ((0, 0), (0, seq_length - t), (0, 0)))


def reference(rnn_out, char_seq, mask):
    b = rnn_out.shape[0]
    word_border = (char_seq == WORD_BORDER)
    pad = jnp.zeros((b, 1), dtype=bool)
    bos_mask = jnp.concatenate([pad, word_border[:, :-1]], axis=1)
    eos_mask = jnp.concatenate([word_border[:, 1:], pad], axis=1)
    bos = _ragged_boolean_mask_to_tensor(rnn_out, bos_mask, SEQ_LENGTH)
    eos = _ragged_boolean_mask_to_tensor(rnn_out, eos_mask, SEQ_LENGTH)
    word_embed = jnp.concatenate([bos, eos], axis=-1)
    return word_embed

if __name__ == "__main__":
    import jax
    _d = setup_inputs()
    print(jax.jit(kernel)(*tuple(_d.values())))

</pallas_src>

<mosaic_0001>
#map = affine_map<(d0, d1) -> (0, 0)>
#map1 = affine_map<(d0, d1) -> (0, 0, 0)>
module attributes {stable_mosaic.version = 14 : i64} {
  func.func @_sc_body(%arg0: i32, %arg1: i32, %arg2: memref<32768x256xf32, #tpu.memory_space<hbm>>, %arg3: memref<16x2048xi32, #tpu.memory_space<hbm>>, %arg4: memref<16x256x512xf32, #tpu.memory_space<hbm>>, %arg5: memref<2048xi32, #tpu.memory_space<vmem>>, %arg6: memref<2048xi32, #tpu.memory_space<vmem>>, %arg7: memref<288x256xf32, #tpu.memory_space<vmem>>, %arg8: memref<32x256xf32, #tpu.memory_space<vmem>>, %arg9: memref<!tpu.dma_semaphore, #tpu.memory_space<semaphore_mem>>, %arg10: memref<!tpu.dma_semaphore, #tpu.memory_space<semaphore_mem>>, %arg11: memref<!tpu.dma_semaphore, #tpu.memory_space<semaphore_mem>>, %arg12: memref<!tpu.dma_semaphore, #tpu.memory_space<semaphore_mem>>) attributes {dimension_semantics = [#tpu.dimension_semantics<core_parallel>, #tpu.dimension_semantics<subcore_parallel>], iteration_bounds = array<i64: 2, 16>, scalar_prefetch = 0 : i64, scratch_operands = 8 : i64, tpu.core_type = #tpu.core_type<sc_vector_subcore>, window_params = [{transform_indices = #map}, {transform_indices = #map}, {transform_indices = #map1}]} {
    %mul3A = arith.constant 2 : i32
    %mul3A_0 = arith.muli %mul3A, %arg0 : i32
    %sub3A = arith.constant 1 : i32
    %sub3A_1 = arith.subi %sub3A, %mul3A_0 : i32
    %iota3A = tpu.iota {dimensions = array<i32: 0>} : vector<16xi32>
    %broadcast_in_dim3A = arith.constant 0.000000e+00 : f32
    %broadcast_in_dim3A_2 = vector.broadcast %broadcast_in_dim3A : f32 to vector<16xf32>
    %dma_start3A = arith.constant 0 : i32
    %dma_start3A_3 = tpu.memref_slice %arg3[%arg1, %dma_start3A] : memref<16x2048xi32, #tpu.memory_space<hbm>> -> memref<1x2048xi32, #tpu.memory_space<hbm>>
    %dma_start3A_4 = tpu.memref_squeeze %dma_start3A_3 : memref<1x2048xi32, #tpu.memory_space<hbm>> -> memref<2048xi32, #tpu.memory_space<hbm>>
    %dma_start3A_5 = arith.constant 0 : i32
    %dma_start3A_6 = tpu.memref_slice %arg3[%arg1, %dma_start3A_5] : memref<16x2048xi32, #tpu.memory_space<hbm>> -> memref<1x2048xi32, #tpu.memory_space<hbm>>
    %dma_start3A_7 = tpu.memref_squeeze %dma_start3A_6 : memref<1x2048xi32, #tpu.memory_space<hbm>> -> memref<2048xi32, #tpu.memory_space<hbm>>
    tpu.enqueue_dma source(%dma_start3A_7 : memref<2048xi32, #tpu.memory_space<hbm>>) target(%arg5 : memref<2048xi32, #tpu.memory_space<vmem>>) target_semaphore(%arg9 : memref<!tpu.dma_semaphore, #tpu.memory_space<semaphore_mem>>)
    %mul3A_8 = arith.constant 2048 : i32
    %mul3A_9 = arith.muli %arg1, %mul3A_8 : i32
    %broadcast_in_dim3A_10 = vector.broadcast %mul3A_9 : i32 to vector<16xi32>
    %swap3A = arith.constant 0 : index
    %swap3A_11 = tpu.vector_load %arg6[%swap3A] {strides = array<i32>} : memref<2048xi32, #tpu.memory_space<vmem>>, vector<16xi32>,
    tpu.vector_store %arg6[%swap3A], %broadcast_in_dim3A_10 {strides = array<i32>} : memref<2048xi32, #tpu.memory_space<vmem>>, vector<16xi32>,
    %swap3A_12 = arith.constant 16 : index
    %swap3A_13 = tpu.vector_load %arg6[%swap3A_12] {strides = array<i32>} : memref<2048xi32, #tpu.memory_space<vmem>>, vector<16xi32>,
    tpu.vector_store %arg6[%swap3A_12], %broadcast_in_dim3A_10 {strides = array<i32>} : memref<2048xi32, #tpu.memory_space<vmem>>, vector<16xi32>,
    %swap3A_14 = arith.constant 32 : index
    %swap3A_15 = tpu.vector_load %arg6[%swap3A_14] {strides = array<i32>} : memref<2048xi32, #tpu.memory_space<vmem>>, vector<16xi32>,
    tpu.vector_store %arg6[%swap3A_14], %broadcast_in_dim3A_10 {strides = array<i32>} : memref<2048xi32, #tpu.memory_space<vmem>>, vector<16xi32>,
    %swap3A_16 = arith.constant 48 : index
    %swap3A_17 = tpu.vector_load %arg6[%swap3A_16] {strides = array<i32>} : memref<2048xi32, #tpu.memory_space<vmem>>, vector<16xi32>,
    tpu.vector_store %arg6[%swap3A_16], %broadcast_in_dim3A_10 {strides = array<i32>} : memref<2048xi32, #tpu.memory_space<vmem>>, vector<16xi32>,
    %swap3A_18 = arith.constant 64 : index
    %swap3A_19 = tpu.vector_load %arg6[%swap3A_18] {strides = array<i32>} : memref<2048xi32, #tpu.memory_space<vmem>>, vector<16xi32>,
    tpu.vector_store %arg6[%swap3A_18], %broadcast_in_dim3A_10 {strides = array<i32>} : memref<2048xi32, #tpu.memory_space<vmem>>, vector<16xi32>,
    %swap3A_20 = arith.constant 80 : index
    %swap3A_21 = tpu.vector_load %arg6[%swap3A_20] {strides = array<i32>} : memref<2048xi32, #tpu.memory_space<vmem>>, vector<16xi32>,
    tpu.vector_store %arg6[%swap3A_20], %broadcast_in_dim3A_10 {strides = array<i32>} : memref<2048xi32, #tpu.memory_space<vmem>>, vector<16xi32>,
    %swap3A_22 = arith.constant 96 : index
    %swap3A_23 = tpu.vector_load %arg6[%swap3A_22] {strides = array<i32>} : memref<2048xi32, #tpu.memory_space<vmem>>, vector<16xi32>,
    tpu.vector_store %arg6[%swap3A_22], %broadcast_in_dim3A_10 {strides = array<i32>} : memref<2048xi32, #tpu.memory_space<vmem>>, vector<16xi32>,
    %swap3A_24 = arith.constant 112 : index
    %swap3A_25 = tpu.vector_load %arg6[%swap3A_24] {strides = array<i32>} : memref<2048xi32, #tpu.memory_space<vmem>>, vector<16xi32>,
    tpu.vector_store %arg6[%swap3A_24], %broadcast_in_dim3A_10 {strides = array<i32>} : memref<2048xi32, #tpu.memory_space<vmem>>, vector<16xi32>,
    %swap3A_26 = arith.constant 128 : index
    %swap3A_27 = tpu.vector_load %arg6[%swap3A_26] {strides = array<i32>} : memref<2048xi32, #tpu.memory_space<vmem>>, vector<16xi32>,
    tpu.vector_store %arg6[%swap3A_26], %broadcast_in_dim3A_10 {strides = array<i32>} : memref<2048xi32, #tpu.memory_space<vmem>>, vector<16xi32>,
    %swap3A_28 = arith.constant 144 : index
    %swap3A_29 = tpu.vector_load %arg6[%swap3A_28] {strides = array<i32>} : memref<2048xi32, #tpu.memory_space<vmem>>, vector<16xi32>,
    tpu.vector_store %arg6[%swap3A_28], %broadcast_in_dim3A_10 {strides = array<i32>} : memref<2048xi32, #tpu.memory_space<vmem>>, vector<16xi32>,
    %swap3A_30 = arith.constant 160 : index
    %swap3A_31 = tpu.vector_load %arg6[%swap3A_30] {strides = array<i32>} : memref<2048xi32, #tpu.memory_space<vmem>>, vector<16xi32>,
    tpu.vector_store %arg6[%swap3A_30], %broadcast_in_dim3A_10 {strides = array<i32>} : memref<2048xi32, #tpu.memory_space<vmem>>, vector<16xi32>,
    %swap3A_32 = arith.constant 176 : index
    %swap3A_33 = tpu.vector_load %arg6[%swap3A_32] {strides = array<i32>} : memref<2048xi32, #tpu.memory_space<vmem>>, vector<16xi32>,
    tpu.vector_store %arg6[%swap3A_32], %broadcast_in_dim3A_10 {strides = array<i32>} : memref<2048xi32, #tpu.memory_space<vmem>>, vector<16xi32>,
    %swap3A_34 = arith.constant 192 : index
    %swap3A_35 = tpu.vector_load %arg6[%swap3A_34] {strides = array<i32>} : memref<2048xi32, #tpu.memory_space<vmem>>, vector<16xi32>,
    tpu.vector_store %arg6[%swap3A_34], %broadcast_in_dim3A_10 {strides = array<i32>} : memref<2048xi32, #tpu.memory_space<vmem>>, vector<16xi32>,
    %swap3A_36 = arith.constant 208 : index
    %swap3A_37 = tpu.vector_load %arg6[%swap3A_36] {strides = array<i32>} : memref<2048xi32, #tpu.memory_space<vmem>>, vector<16xi32>,
    tpu.vector_store %arg6[%swap3A_36], %broadcast_in_dim3A_10 {strides = array<i32>} : memref<2048xi32, #tpu.memory_space<vmem>>, vector<16xi32>,
    %swap3A_38 = arith.constant 224 : index
    %swap3A_39 = tpu.vector_load %arg6[%swap3A_38] {strides = array<i32>} : memref<2048xi32, #tpu.memory_space<vmem>>, vector<16xi32>,
    tpu.vector_store %arg6[%swap3A_38], %broadcast_in_dim3A_10 {strides = array<i32>} : memref<2048xi32, #tpu.memory_space<vmem>>, vector<16xi32>,
    %swap3A_40 = arith.constant 240 : index
    %swap3A_41 = tpu.vector_load %arg6[%swap3A_40] {strides = array<i32>} : memref<2048xi32, #tpu.memory_space<vmem>>, vector<16xi32>,
    tpu.vector_store %arg6[%swap3A_40], %broadcast_in_dim3A_10 {strides = array<i32>} : memref<2048xi32, #tpu.memory_space<vmem>>, vector<16xi32>,
    %scan3A = arith.constant 0 : i32
    %scan3A_42 = arith.constant 32 : i32
    %scan3A_43 = arith.addi %scan3A, %scan3A_42 : i32
    %scan3A_44 = arith.constant 1 : i32
    scf.for %scan3A_375 = %scan3A to %scan3A_43 step %scan3A_44  : i32 {
      %mul3A_376 = arith.constant 1 : i32
      %mul3A_377 = arith.muli %scan3A_375, %mul3A_376 : i32
      %add3A_378 = arith.constant 0 : i32
      %add3A_379 = arith.addi %add3A_378, %mul3A_377 : i32
      %swap3A_380 = arith.index_cast %add3A_379 : i32 to index
      %swap3A_381 = arith.constant 0 : index
      %swap3A_382 = tpu.vector_load %arg8[%swap3A_380, %swap3A_381] {strides = array<i32>} : memref<32x256xf32, #tpu.memory_space<vmem>>, vector<16xf32>,
      tpu.vector_store %arg8[%swap3A_380, %swap3A_381], %broadcast_in_dim3A_2 {strides = array<i32>} : memref<32x256xf32, #tpu.memory_space<vmem>>, vector<16xf32>,
      %swap3A_383 = arith.index_cast %add3A_379 : i32 to index
      %swap3A_384 = arith.constant 16 : index
      %swap3A_385 = tpu.vector_load %arg8[%swap3A_383, %swap3A_384] {strides = array<i32>} : memref<32x256xf32, #tpu.memory_space<vmem>>, vector<16xf32>,
      tpu.vector_store %arg8[%swap3A_383, %swap3A_384], %broadcast_in_dim3A_2 {strides = array<i32>} : memref<32x256xf32, #tpu.memory_space<vmem>>, vector<16xf32>,
      %swap3A_386 = arith.index_cast %add3A_379 : i32 to index
      %swap3A_387 = arith.constant 32 : index
      %swap3A_388 = tpu.vector_load %arg8[%swap3A_386, %swap3A_387] {strides = array<i32>} : memref<32x256xf32, #tpu.memory_space<vmem>>, vector<16xf32>,
      tpu.vector_store %arg8[%swap3A_386, %swap3A_387], %broadcast_in_dim3A_2 {strides = array<i32>} : memref<32x256xf32, #tpu.memory_space<vmem>>, vector<16xf32>,
      %swap3A_389 = arith.index_cast %add3A_379 : i32 to index
      %swap3A_390 = arith.constant 48 : index
      %swap3A_391 = tpu.vector_load %arg8[%swap3A_389, %swap3A_390] {strides = array<i32>} : memref<32x256xf32, #tpu.memory_space<vmem>>, vector<16xf32>,
      tpu.vector_store %arg8[%swap3A_389, %swap3A_390], %broadcast_in_dim3A_2 {strides = array<i32>} : memref<32x256xf32, #tpu.memory_space<vmem>>, vector<16xf32>,
      %swap3A_392 = arith.index_cast %add3A_379 : i32 to index
      %swap3A_393 = arith.constant 64 : index
      %swap3A_394 = tpu.vector_load %arg8[%swap3A_392, %swap3A_393] {strides = array<i32>} : memref<32x256xf32, #tpu.memory_space<vmem>>, vector<16xf32>,
      tpu.vector_store %arg8[%swap3A_392, %swap3A_393], %broadcast_in_dim3A_2 {strides = array<i32>} : memref<32x256xf32, #tpu.memory_space<vmem>>, vector<16xf32>,
      %swap3A_395 = arith.index_cast %add3A_379 : i32 to index
      %swap3A_396 = arith.constant 80 : index
      %swap3A_397 = tpu.vector_load %arg8[%swap3A_395, %swap3A_396] {strides = array<i32>} : memref<32x256xf32, #tpu.memory_space<vmem>>, vector<16xf32>,
      tpu.vector_store %arg8[%swap3A_395, %swap3A_396], %broadcast_in_dim3A_2 {strides = array<i32>} : memref<32x256xf32, #tpu.memory_space<vmem>>, vector<16xf32>,
      %swap3A_398 = arith.index_cast %add3A_379 : i32 to index
      %swap3A_399 = arith.constant 96 : index
      %swap3A_400 = tpu.vector_load %arg8[%swap3A_398, %swap3A_399] {strides = array<i32>} : memref<32x256xf32, #tpu.memory_space<vmem>>, vector<16xf32>,
      tpu.vector_store %arg8[%swap3A_398, %swap3A_399], %broadcast_in_dim3A_2 {strides = array<i32>} : memref<32x256xf32, #tpu.memory_space<vmem>>, vector<16xf32>,
      %swap3A_401 = arith.index_cast %add3A_379 : i32 to index
      %swap3A_402 = arith.constant 112 : index
      %swap3A_403 = tpu.vector_load %arg8[%swap3A_401, %swap3A_402] {strides = array<i32>} : memref<32x256xf32, #tpu.memory_space<vmem>>, vector<16xf32>,
      tpu.vector_store %arg8[%swap3A_401, %swap3A_402], %broadcast_in_dim3A_2 {strides = array<i32>} : memref<32x256xf32, #tpu.memory_space<vmem>>, vector<16xf32>,
      %swap3A_404 = arith.index_cast %add3A_379 : i32 to index
      %swap3A_405 = arith.constant 128 : index
      %swap3A_406 = tpu.vector_load %arg8[%swap3A_404, %swap3A_405] {strides = array<i32>} : memref<32x256xf32, #tpu.memory_space<vmem>>, vector<16xf32>,
      tpu.vector_store %arg8[%swap3A_404, %swap3A_405], %broadcast_in_dim3A_2 {strides = array<i32>} : memref<32x256xf32, #tpu.memory_space<vmem>>, vector<16xf32>,
      %swap3A_407 = arith.index_cast %add3A_379 : i32 to index
      %swap3A_408 = arith.constant 144 : index
      %swap3A_409 = tpu.vector_load %arg8[%swap3A_407, %swap3A_408] {strides = array<i32>} : memref<32x256xf32, #tpu.memory_space<vmem>>, vector<16xf32>,
      tpu.vector_store %arg8[%swap3A_407, %swap3A_408], %broadcast_in_dim3A_2 {strides = array<i32>} : memref<32x256xf32, #tpu.memory_space<vmem>>, vector<16xf32>,
      %swap3A_410 = arith.index_cast %add3A_379 : i32 to index
      %swap3A_411 = arith.constant 160 : index
      %swap3A_412 = tpu.vector_load %arg8[%swap3A_410, %swap3A_411] {strides = array<i32>} : memref<32x256xf32, #tpu.memory_space<vmem>>, vector<16xf32>,
      tpu.vector_store %arg8[%swap3A_410, %swap3A_411], %broadcast_in_dim3A_2 {strides = array<i32>} : memref<32x256xf32, #tpu.memory_space<vmem>>, vector<16xf32>,
      %swap3A_413 = arith.index_cast %add3A_379 : i32 to index
      %swap3A_414 = arith.constant 176 : index
      %swap3A_415 = tpu.vector_load %arg8[%swap3A_413, %swap3A_414] {strides = array<i32>} : memref<32x256xf32, #tpu.memory_space<vmem>>, vector<16xf32>,
      tpu.vector_store %arg8[%swap3A_413, %swap3A_414], %broadcast_in_dim3A_2 {strides = array<i32>} : memref<32x256xf32, #tpu.memory_space<vmem>>, vector<16xf32>,
      %swap3A_416 = arith.index_cast %add3A_379 : i32 to index
      %swap3A_417 = arith.constant 192 : index
      %swap3A_418 = tpu.vector_load %arg8[%swap3A_416, %swap3A_417] {strides = array<i32>} : memref<32x256xf32, #tpu.memory_space<vmem>>, vector<16xf32>,
      tpu.vector_store %arg8[%swap3A_416, %swap3A_417], %broadcast_in_dim3A_2 {strides = array<i32>} : memref<32x256xf32, #tpu.memory_space<vmem>>, vector<16xf32>,
      %swap3A_419 = arith.index_cast %add3A_379 : i32 to index
      %swap3A_420 = arith.constant 208 : index
      %swap3A_421 = tpu.vector_load %arg8[%swap3A_419, %swap3A_420] {strides = array<i32>} : memref<32x256xf32, #tpu.memory_space<vmem>>, vector<16xf32>,
      tpu.vector_store %arg8[%swap3A_419, %swap3A_420], %broadcast_in_dim3A_2 {strides = array<i32>} : memref<32x256xf32, #tpu.memory_space<vmem>>, vector<16xf32>,
      %swap3A_422 = arith.index_cast %add3A_379 : i32 to index
      %swap3A_423 = arith.constant 224 : index
      %swap3A_424 = tpu.vector_load %arg8[%swap3A_422, %swap3A_423] {strides = array<i32>} : memref<32x256xf32, #tpu.memory_space<vmem>>, vector<16xf32>,
      tpu.vector_store %arg8[%swap3A_422, %swap3A_423], %broadcast_in_dim3A_2 {strides = array<i32>} : memref<32x256xf32, #tpu.memory_space<vmem>>, vector<16xf32>,
      %swap3A_425 = arith.index_cast %add3A_379 : i32 to index
      %swap3A_426 = arith.constant 240 : index
      %swap3A_427 = tpu.vector_load %arg8[%swap3A_425, %swap3A_426] {strides = array<i32>} : memref<32x256xf32, #tpu.memory_space<vmem>>, vector<16xf32>,
      tpu.vector_store %arg8[%swap3A_425, %swap3A_426], %broadcast_in_dim3A_2 {strides = array<i32>} : memref<32x256xf32, #tpu.memory_space<vmem>>, vector<16xf32>,
    }
    %scan3A_45 = arith.constant 32 : i32
    %multiple_of3A = arith.constant 64 : i32
    %multiple_of3A_46 = tpu.assume_multiple %multiple_of3A, 32 : i32
    %mul3A_47 = arith.constant 256 : i32
    %mul3A_48 = arith.muli %arg0, %mul3A_47 : i32
    %dma_start3A_49 = tpu.memref_slice %arg4[%arg1, %multiple_of3A_46, %mul3A_48] : memref<16x256x512xf32, #tpu.memory_space<hbm>> -> memref<1x32x256xf32, #tpu.memory_space<hbm>>
    %dma_start3A_50 = tpu.memref_squeeze %dma_start3A_49 : memref<1x32x256xf32, #tpu.memory_space<hbm>> -> memref<32x256xf32, #tpu.memory_space<hbm>>
    %dma_start3A_51 = tpu.memref_slice %arg4[%arg1, %multiple_of3A_46, %mul3A_48] : memref<16x256x512xf32, #tpu.memory_space<hbm>> -> memref<1x32x256xf32, #tpu.memory_space<hbm>>
    %dma_start3A_52 = tpu.memref_squeeze %dma_start3A_51 : memref<1x32x256xf32, #tpu.memory_space<hbm>> -> memref<32x256xf32, #tpu.memory_space<hbm>>
    tpu.enqueue_dma source(%arg8 : memref<32x256xf32, #tpu.memory_space<vmem>>) target(%dma_start3A_52 : memref<32x256xf32, #tpu.memory_space<hbm>>) target_semaphore(%arg11 : memref<!tpu.dma_semaphore, #tpu.memory_space<semaphore_mem>>)
    %multiple_of3A_53 = arith.constant 96 : i32
    %multiple_of3A_54 = tpu.assume_multiple %multiple_of3A_53, 32 : i32
    %mul3A_55 = arith.constant 256 : i32
    %mul3A_56 = arith.muli %arg0, %mul3A_55 : i32
    %dma_start3A_57 = tpu.memref_slice %arg4[%arg1, %multiple_of3A_54, %mul3A_56] : memref<16x256x512xf32, #tpu.memory_space<hbm>> -> memref<1x32x256xf32, #tpu.memory_space<hbm>>
    %dma_start3A_58 = tpu.memref_squeeze %dma_start3A_57 : memref<1x32x256xf32, #tpu.memory_space<hbm>> -> memref<32x256xf32, #tpu.memory_space<hbm>>
    %dma_start3A_59 = tpu.memref_slice %arg4[%arg1, %multiple_of3A_54, %mul3A_56] : memref<16x256x512xf32, #tpu.memory_space<hbm>> -> memref<1x32x256xf32, #tpu.memory_space<hbm>>
    %dma_start3A_60 = tpu.memref_squeeze %dma_start3A_59 : memref<1x32x256xf32, #tpu.memory_space<hbm>> -> memref<32x256xf32, #tpu.memory_space<hbm>>
    tpu.enqueue_dma source(%arg8 : memref<32x256xf32, #tpu.memory_space<vmem>>) target(%dma_start3A_60 : memref<32x256xf32, #tpu.memory_space<hbm>>) target_semaphore(%arg11 : memref<!tpu.dma_semaphore, #tpu.memory_space<semaphore_mem>>)
    %multiple_of3A_61 = arith.constant 128 : i32
    %multiple_of3A_62 = tpu.assume_multiple %multiple_of3A_61, 32 : i32
    %mul3A_63 = arith.constant 256 : i32
    %mul3A_64 = arith.muli %arg0, %mul3A_63 : i32
    %dma_start3A_65 = tpu.memref_slice %arg4[%arg1, %multiple_of3A_62, %mul3A_64] : memref<16x256x512xf32, #tpu.memory_space<hbm>> -> memref<1x32x256xf32, #tpu.memory_space<hbm>>
    %dma_start3A_66 = tpu.memref_squeeze %dma_start3A_65 : memref<1x32x256xf32, #tpu.memory_space<hbm>> -> memref<32x256xf32, #tpu.memory_space<hbm>>
    %dma_start3A_67 = tpu.memref_slice %arg4[%arg1, %multiple_of3A_62, %mul3A_64] : memref<16x256x512xf32, #tpu.memory_space<hbm>> -> memref<1x32x256xf32, #tpu.memory_space<hbm>>
    %dma_start3A_68 = tpu.memref_squeeze %dma_start3A_67 : memref<1x32x256xf32, #tpu.memory_space<hbm>> -> memref<32x256xf32, #tpu.memory_space<hbm>>
    tpu.enqueue_dma source(%arg8 : memref<32x256xf32, #tpu.memory_space<vmem>>) target(%dma_start3A_68 : memref<32x256xf32, #tpu.memory_space<hbm>>) target_semaphore(%arg11 : memref<!tpu.dma_semaphore, #tpu.memory_space<semaphore_mem>>)
    %multiple_of3A_69 = arith.constant 160 : i32
    %multiple_of3A_70 = tpu.assume_multiple %multiple_of3A_69, 32 : i32
    %mul3A_71 = arith.constant 256 : i32
    %mul3A_72 = arith.muli %arg0, %mul3A_71 : i32
    %dma_start3A_73 = tpu.memref_slice %arg4[%arg1, %multiple_of3A_70, %mul3A_72] : memref<16x256x512xf32, #tpu.memory_space<hbm>> -> memref<1x32x256xf32, #tpu.memory_space<hbm>>
    %dma_start3A_74 = tpu.memref_squeeze %dma_start3A_73 : memref<1x32x256xf32, #tpu.memory_space<hbm>> -> memref<32x256xf32, #tpu.memory_space<hbm>>
    %dma_start3A_75 = tpu.memref_slice %arg4[%arg1, %multiple_of3A_70, %mul3A_72] : memref<16x256x512xf32, #tpu.memory_space<hbm>> -> memref<1x32x256xf32, #tpu.memory_space<hbm>>
    %dma_start3A_76 = tpu.memref_squeeze %dma_start3A_75 : memref<1x32x256xf32, #tpu.memory_space<hbm>> -> memref<32x256xf32, #tpu.memory_space<hbm>>
    tpu.enqueue_dma source(%arg8 : memref<32x256xf32, #tpu.memory_space<vmem>>) target(%dma_start3A_76 : memref<32x256xf32, #tpu.memory_space<hbm>>) target_semaphore(%arg11 : memref<!tpu.dma_semaphore, #tpu.memory_space<semaphore_mem>>)
    %multiple_of3A_77 = arith.constant 192 : i32
    %multiple_of3A_78 = tpu.assume_multiple %multiple_of3A_77, 32 : i32
    %mul3A_79 = arith.constant 256 : i32
    %mul3A_80 = arith.muli %arg0, %mul3A_79 : i32
    %dma_start3A_81 = tpu.memref_slice %arg4[%arg1, %multiple_of3A_78, %mul3A_80] : memref<16x256x512xf32, #tpu.memory_space<hbm>> -> memref<1x32x256xf32, #tpu.memory_space<hbm>>
    %dma_start3A_82 = tpu.memref_squeeze %dma_start3A_81 : memref<1x32x256xf32, #tpu.memory_space<hbm>> -> memref<32x256xf32, #tpu.memory_space<hbm>>
    %dma_start3A_83 = tpu.memref_slice %arg4[%arg1, %multiple_of3A_78, %mul3A_80] : memref<16x256x512xf32, #tpu.memory_space<hbm>> -> memref<1x32x256xf32, #tpu.memory_space<hbm>>
    %dma_start3A_84 = tpu.memref_squeeze %dma_start3A_83 : memref<1x32x256xf32, #tpu.memory_space<hbm>> -> memref<32x256xf32, #tpu.memory_space<hbm>>
    tpu.enqueue_dma source(%arg8 : memref<32x256xf32, #tpu.memory_space<vmem>>) target(%dma_start3A_84 : memref<32x256xf32, #tpu.memory_space<hbm>>) target_semaphore(%arg11 : memref<!tpu.dma_semaphore, #tpu.memory_space<semaphore_mem>>)
    %multiple_of3A_85 = arith.constant 224 : i32
    %multiple_of3A_86 = tpu.assume_multiple %multiple_of3A_85, 32 : i32
    %mul3A_87 = arith.constant 256 : i32
    %mul3A_88 = arith.muli %arg0, %mul3A_87 : i32
    %dma_start3A_89 = tpu.memref_slice %arg4[%arg1, %multiple_of3A_86, %mul3A_88] : memref<16x256x512xf32, #tpu.memory_space<hbm>> -> memref<1x32x256xf32, #tpu.memory_space<hbm>>
    %dma_start3A_90 = tpu.memref_squeeze %dma_start3A_89 : memref<1x32x256xf32, #tpu.memory_space<hbm>> -> memref<32x256xf32, #tpu.memory_space<hbm>>
    %dma_start3A_91 = tpu.memref_slice %arg4[%arg1, %multiple_of3A_86, %mul3A_88] : memref<16x256x512xf32, #tpu.memory_space<hbm>> -> memref<1x32x256xf32, #tpu.memory_space<hbm>>
    %dma_start3A_92 = tpu.memref_squeeze %dma_start3A_91 : memref<1x32x256xf32, #tpu.memory_space<hbm>> -> memref<32x256xf32, #tpu.memory_space<hbm>>
    tpu.enqueue_dma source(%arg8 : memref<32x256xf32, #tpu.memory_space<vmem>>) target(%dma_start3A_92 : memref<32x256xf32, #tpu.memory_space<hbm>>) target_semaphore(%arg11 : memref<!tpu.dma_semaphore, #tpu.memory_space<semaphore_mem>>)
    %dma_wait3A = arith.constant 0 : i32
    %dma_wait3A_93 = tpu.memref_slice %arg3[%arg1, %dma_wait3A] : memref<16x2048xi32, #tpu.memory_space<hbm>> -> memref<1x2048xi32, #tpu.memory_space<hbm>>
    %dma_wait3A_94 = tpu.memref_squeeze %dma_wait3A_93 : memref<1x2048xi32, #tpu.memory_space<hbm>> -> memref<2048xi32, #tpu.memory_space<hbm>>
    %dma_wait3A_95 = arith.constant 0 : i32
    %dma_wait3A_96 = tpu.memref_slice %arg3[%arg1, %dma_wait3A_95] : memref<16x2048xi32, #tpu.memory_space<hbm>> -> memref<1x2048xi32, #tpu.memory_space<hbm>>
    %dma_wait3A_97 = tpu.memref_squeeze %dma_wait3A_96 : memref<1x2048xi32, #tpu.memory_space<hbm>> -> memref<2048xi32, #tpu.memory_space<hbm>>
    tpu.wait_dma2 semaphore(%arg9 : memref<!tpu.dma_semaphore, #tpu.memory_space<semaphore_mem>>) src(%dma_wait3A_97 : memref<2048xi32, #tpu.memory_space<hbm>>) dst(%arg5 : memref<2048xi32, #tpu.memory_space<vmem>>)
    %broadcast_in_dim3A_98 = arith.constant 0 : i32
    %broadcast_in_dim3A_99 = vector.broadcast %broadcast_in_dim3A_98 : i32 to vector<16xi32>
    %scan3A_100 = arith.constant 0 : i32
    %scan3A_101 = arith.constant 128 : i32
    %scan3A_102 = arith.addi %scan3A_100, %scan3A_101 : i32
    %scan3A_103 = arith.constant 2 : i32
    %scan3A_104 = scf.for %scan3A_375 = %scan3A_100 to %scan3A_102 step %scan3A_103 iter_args(%scan3A_376 = %broadcast_in_dim3A_99) -> (vector<16xi32>)  : i32 {
      %mul3A_377 = arith.constant 16 : i32
      %mul3A_378 = arith.muli %scan3A_375, %mul3A_377 : i32
      %get3A = arith.index_cast %mul3A_378 : i32 to index
      %get3A_379 = tpu.vector_load %arg5[%get3A] {strides = array<i32>} : memref<2048xi32, #tpu.memory_space<vmem>>, vector<16xi32>,
      %mul3A_380 = arith.constant 16 : i32
      %mul3A_381 = arith.muli %scan3A_375, %mul3A_380 : i32
      %add3A_382 = vector.broadcast %mul3A_381 : i32 to vector<16xi32>
      %add3A_383 = arith.addi %add3A_382, %iota3A : vector<16xi32>
      %add3A_384 = vector.broadcast %sub3A_1 : i32 to vector<16xi32>
      %add3A_385 = arith.addi %add3A_383, %add3A_384 : vector<16xi32>
      %eq3A_386 = arith.constant 3 : i32
      %eq3A_387 = vector.broadcast %eq3A_386 : i32 to vector<16xi32>
      %eq3A_388 = arith.cmpi eq, %get3A_379, %eq3A_387 : vector<16xi32>
      %ge3A = arith.constant 0 : i32
      %ge3A_389 = vector.broadcast %ge3A : i32 to vector<16xi32>
      %ge3A_390 = arith.cmpi sge, %add3A_385, %ge3A_389 : vector<16xi32>
      %and3A_391 = arith.andi %eq3A_388, %ge3A_390 : vector<16xi1>
      %le3A = arith.constant 2047 : i32
      %le3A_392 = vector.broadcast %le3A : i32 to vector<16xi32>
      %le3A_393 = arith.cmpi sle, %add3A_385, %le3A_392 : vector<16xi32>
      %and3A_394 = arith.andi %and3A_391, %le3A_393 : vector<16xi1>
      %convert_element_type3A = arith.extui %and3A_394 : vector<16xi1> to vector<16xi32>
      %broadcast_in_dim3A_395 = arith.constant true
      %broadcast_in_dim3A_396 = vector.broadcast %broadcast_in_dim3A_395 : i1 to vector<16xi1>
      %masked_cumsum3A = tpu.scan <sum>, %convert_element_type3A masked %broadcast_in_dim3A_396 : vector<16xi32>, vector<16xi1> -> vector<16xi32>
      %sub3A_397 = arith.constant 1 : i32
      %sub3A_398 = vector.broadcast %sub3A_397 : i32 to vector<16xi32>
      %sub3A_399 = arith.subi %masked_cumsum3A, %sub3A_398 : vector<16xi32>
      %add3A_400 = arith.addi %sub3A_399, %scan3A_376 : vector<16xi32>
      %mul3A_401 = arith.constant 2048 : i32
      %mul3A_402 = arith.muli %arg1, %mul3A_401 : i32
      %add3A_403 = vector.broadcast %mul3A_402 : i32 to vector<16xi32>
      %add3A_404 = arith.addi %add3A_385, %add3A_403 : vector<16xi32>
      tpu.vector_store_idx %arg6[%add3A_400], %add3A_404 masked %and3A_394 : memref<2048xi32, #tpu.memory_space<vmem>>[vector<16xi32>], vector<16xi32>, vector<16xi1>
      %all_reduce_population_count3A = tpu.all_reduce %and3A_394 {dim = 0 : i64, kind = #tpu.reduction_kind<sum>} : vector<16xi1> -> vector<16xi32>
      %add3A_405 = arith.addi %scan3A_376, %all_reduce_population_count3A : vector<16xi32>
      %scan3A_406 = arith.constant 1 : i32
      %scan3A_407 = arith.addi %scan3A_375, %scan3A_406 : i32
      %mul3A_408 = arith.constant 16 : i32
      %mul3A_409 = arith.muli %scan3A_407, %mul3A_408 : i32
      %get3A_410 = arith.index_cast %mul3A_409 : i32 to index
      %get3A_411 = tpu.vector_load %arg5[%get3A_410] {strides = array<i32>} : memref<2048xi32, #tpu.memory_space<vmem>>, vector<16xi32>,
      %mul3A_412 = arith.constant 16 : i32
      %mul3A_413 = arith.muli %scan3A_407, %mul3A_412 : i32
      %add3A_414 = vector.broadcast %mul3A_413 : i32 to vector<16xi32>
      %add3A_415 = arith.addi %add3A_414, %iota3A : vector<16xi32>
      %add3A_416 = vector.broadcast %sub3A_1 : i32 to vector<16xi32>
      %add3A_417 = arith.addi %add3A_415, %add3A_416 : vector<16xi32>
      %eq3A_418 = arith.constant 3 : i32
      %eq3A_419 = vector.broadcast %eq3A_418 : i32 to vector<16xi32>
      %eq3A_420 = arith.cmpi eq, %get3A_411, %eq3A_419 : vector<16xi32>
      %ge3A_421 = arith.constant 0 : i32
      %ge3A_422 = vector.broadcast %ge3A_421 : i32 to vector<16xi32>
      %ge3A_423 = arith.cmpi sge, %add3A_417, %ge3A_422 : vector<16xi32>
      %and3A_424 = arith.andi %eq3A_420, %ge3A_423 : vector<16xi1>
      %le3A_425 = arith.constant 2047 : i32
      %le3A_426 = vector.broadcast %le3A_425 : i32 to vector<16xi32>
      %le3A_427 = arith.cmpi sle, %add3A_417, %le3A_426 : vector<16xi32>
      %and3A_428 = arith.andi %and3A_424, %le3A_427 : vector<16xi1>
      %convert_element_type3A_429 = arith.extui %and3A_428 : vector<16xi1> to vector<16xi32>
      %broadcast_in_dim3A_430 = arith.constant true
      %broadcast_in_dim3A_431 = vector.broadcast %broadcast_in_dim3A_430 : i1 to vector<16xi1>
      %masked_cumsum3A_432 = tpu.scan <sum>, %convert_element_type3A_429 masked %broadcast_in_dim3A_431 : vector<16xi32>, vector<16xi1> -> vector<16xi32>
      %sub3A_433 = arith.constant 1 : i32
      %sub3A_434 = vector.broadcast %sub3A_433 : i32 to vector<16xi32>
      %sub3A_435 = arith.subi %masked_cumsum3A_432, %sub3A_434 : vector<16xi32>
      %add3A_436 = arith.addi %sub3A_435, %add3A_405 : vector<16xi32>
      %mul3A_437 = arith.constant 2048 : i32
      %mul3A_438 = arith.muli %arg1, %mul3A_437 : i32
      %add3A_439 = vector.broadcast %mul3A_438 : i32 to vector<16xi32>
      %add3A_440 = arith.addi %add3A_417, %add3A_439 : vector<16xi32>
      tpu.vector_store_idx %arg6[%add3A_436], %add3A_440 masked %and3A_428 : memref<2048xi32, #tpu.memory_space<vmem>>[vector<16xi32>], vector<16xi32>, vector<16xi1>
      %all_reduce_population_count3A_441 = tpu.all_reduce %and3A_428 {dim = 0 : i64, kind = #tpu.reduction_kind<sum>} : vector<16xi1> -> vector<16xi32>
      %add3A_442 = arith.addi %add3A_405, %all_reduce_population_count3A_441 : vector<16xi32>
      scf.yield %add3A_442 : vector<16xi32>
    }
    %scan3A_105 = arith.constant 128 : i32
    %reduce_max3A = arith.constant true
    %reduce_max3A_106 = vector.broadcast %reduce_max3A : i1 to vector<16xi1>
    %reduce_max3A_107 = arith.constant -2147483648 : i32
    %reduce_max3A_108 = vector.broadcast %reduce_max3A_107 : i32 to vector<16xi32>
    %reduce_max3A_109 = arith.xori %scan3A_104, %reduce_max3A_108 : vector<16xi32>
    %reduce_max3A_110 = tpu.scan <max>, %reduce_max3A_109 masked %reduce_max3A_106 : vector<16xi32>, vector<16xi1> -> vector<16xi32>
    %reduce_max3A_111 = arith.xori %reduce_max3A_110, %reduce_max3A_108 : vector<16xi32>
    %reduce_max3A_112 = vector.extract %reduce_max3A_111[15] : i32 from vector<16xi32>
    %min3A = arith.constant 256 : i32
    %min3A_113 = arith.minsi %reduce_max3A_112, %min3A : i32
    %add3A = arith.constant 32 : i32
    %add3A_114 = arith.addi %min3A_113, %add3A : i32
    %sub3A_115 = arith.constant 1 : i32
    %sub3A_116 = arith.subi %add3A_114, %sub3A_115 : i32
    %jit3A = arith.constant 32 : i32
    %div3A = arith.divsi %sub3A_116, %jit3A : i32
    %sign3A = arith.constant 0 : i32
    %sign3A_117 = arith.cmpi sgt, %sub3A_116, %sign3A : i32
    %sign3A_118 = arith.extui %sign3A_117 : i1 to i32
    %sign3A_119 = arith.constant 0 : i32
    %sign3A_120 = arith.cmpi slt, %sub3A_116, %sign3A_119 : i32
    %sign3A_121 = arith.extui %sign3A_120 : i1 to i32
    %sign3A_122 = arith.subi %sign3A_118, %sign3A_121 : i32
    %sign3A_123 = arith.constant 0 : i32
    %sign3A_124 = arith.cmpi sgt, %jit3A, %sign3A_123 : i32
    %sign3A_125 = arith.extui %sign3A_124 : i1 to i32
    %sign3A_126 = arith.constant 0 : i32
    %sign3A_127 = arith.cmpi slt, %jit3A, %sign3A_126 : i32
    %sign3A_128 = arith.extui %sign3A_127 : i1 to i32
    %sign3A_129 = arith.subi %sign3A_125, %sign3A_128 : i32
    %ne3A = arith.cmpi ne, %sign3A_122, %sign3A_129 : i32
    %rem3A = arith.remsi %sub3A_116, %jit3A : i32
    %ne3A_130 = arith.constant 0 : i32
    %ne3A_131 = arith.cmpi ne, %rem3A, %ne3A_130 : i32
    %and3A = arith.andi %ne3A, %ne3A_131 : i1
    %sub3A_132 = arith.constant 1 : i32
    %sub3A_133 = arith.subi %div3A, %sub3A_132 : i32
    %select_n3A = arith.select %and3A, %sub3A_133, %div3A : i32
    %add3A_134 = arith.constant 8 : i32
    %add3A_135 = arith.addi %min3A_113, %add3A_134 : i32
    %sub3A_136 = arith.constant 1 : i32
    %sub3A_137 = arith.subi %add3A_135, %sub3A_136 : i32
    %jit3A_138 = arith.constant 8 : i32
    %div3A_139 = arith.divsi %sub3A_137, %jit3A_138 : i32
    %sign3A_140 = arith.constant 0 : i32
    %sign3A_141 = arith.cmpi sgt, %sub3A_137, %sign3A_140 : i32
    %sign3A_142 = arith.extui %sign3A_141 : i1 to i32
    %sign3A_143 = arith.constant 0 : i32
    %sign3A_144 = arith.cmpi slt, %sub3A_137, %sign3A_143 : i32
    %sign3A_145 = arith.extui %sign3A_144 : i1 to i32
    %sign3A_146 = arith.subi %sign3A_142, %sign3A_145 : i32
    %sign3A_147 = arith.constant 0 : i32
    %sign3A_148 = arith.cmpi sgt, %jit3A_138, %sign3A_147 : i32
    %sign3A_149 = arith.extui %sign3A_148 : i1 to i32
    %sign3A_150 = arith.constant 0 : i32
    %sign3A_151 = arith.cmpi slt, %jit3A_138, %sign3A_150 : i32
    %sign3A_152 = arith.extui %sign3A_151 : i1 to i32
    %sign3A_153 = arith.subi %sign3A_149, %sign3A_152 : i32
    %ne3A_154 = arith.cmpi ne, %sign3A_146, %sign3A_153 : i32
    %rem3A_155 = arith.remsi %sub3A_137, %jit3A_138 : i32
    %ne3A_156 = arith.constant 0 : i32
    %ne3A_157 = arith.cmpi ne, %rem3A_155, %ne3A_156 : i32
    %and3A_158 = arith.andi %ne3A_154, %ne3A_157 : i1
    %sub3A_159 = arith.constant 1 : i32
    %sub3A_160 = arith.subi %div3A_139, %sub3A_159 : i32
    %select_n3A_161 = arith.select %and3A_158, %sub3A_160, %div3A_139 : i32
    %sub3A_162 = arith.constant 0 : i32
    %sub3A_163 = arith.subi %select_n3A_161, %sub3A_162 : i32
    %sub3A_164 = arith.constant 1 : i32
    %sub3A_165 = arith.constant 1 : i32
    %sub3A_166 = arith.subi %sub3A_164, %sub3A_165 : i32
    %add3A_167 = arith.addi %sub3A_163, %sub3A_166 : i32
    %div3A_168 = arith.constant 1 : i32
    %div3A_169 = arith.divsi %add3A_167, %div3A_168 : i32
    %while3A = arith.constant 1 : i32
    %while3A_170 = arith.constant 0 : i32
    %while3A_171 = arith.constant 0 : i32
    %while3A_172 = arith.subi %div3A_169, %while3A_171 : i32
    %while3A_173 = arith.addi %while3A_171, %while3A_172 : i32
    %while3A_174 = arith.constant 1 : i32
    %while3A_175 = arith.divsi %while3A_172, %while3A_174 : i32
    %while3A_176 = arith.muli %while3A_175, %while3A_174 : i32
    %while3A_177 = arith.addi %while3A_171, %while3A_176 : i32
    %while3A_178 = arith.constant 1 : i32
    scf.for %while3A_375 = %while3A_171 to %while3A_177 step %while3A_178  : i32 {
      %mul3A_376 = arith.muli %while3A_375, %while3A : i32
      %add3A_377 = arith.addi %while3A_170, %mul3A_376 : i32
      %mul3A_378 = arith.constant 8 : i32
      %mul3A_379 = arith.muli %add3A_377, %mul3A_378 : i32
      %multiple_of3A_380 = tpu.assume_multiple %mul3A_379, 8 : i32
      %mul3A_381 = arith.constant 8 : i32
      %mul3A_382 = arith.muli %add3A_377, %mul3A_381 : i32
      %multiple_of3A_383 = tpu.assume_multiple %mul3A_382, 8 : i32
      %dma_start3A_384 = arith.constant 0 : i32
      %dma_start3A_385 = tpu.memref_slice %arg7[%multiple_of3A_383, %dma_start3A_384] : memref<288x256xf32, #tpu.memory_space<vmem>> -> memref<8x256xf32, #tpu.memory_space<vmem>>
      %dma_start3A_386 = tpu.memref_slice %arg6[%multiple_of3A_380] : memref<2048xi32, #tpu.memory_space<vmem>> -> memref<8xi32, #tpu.memory_space<vmem>>
      %dma_start3A_387 = arith.constant 0 : i32
      %dma_start3A_388 = arith.constant 0 : i32
      %dma_start3A_389 = tpu.memref_slice %arg2[%dma_start3A_387, %dma_start3A_388] : memref<32768x256xf32, #tpu.memory_space<hbm>> -> memref<32768x256xf32, #tpu.memory_space<hbm>>
      tpu.enqueue_indirect_dma source(%dma_start3A_389 : memref<32768x256xf32, #tpu.memory_space<hbm>>) target(%dma_start3A_385 : memref<8x256xf32, #tpu.memory_space<vmem>>) offsets(%dma_start3A_386 : memref<8xi32, #tpu.memory_space<vmem>>) semaphore(%arg10 : memref<!tpu.dma_semaphore, #tpu.memory_space<semaphore_mem>>)
    }
    %while3A_179 = arith.constant 1 : i32
    scf.for %while3A_375 = %while3A_177 to %while3A_173 step %while3A_179  : i32 {
      %mul3A_376 = arith.muli %while3A_375, %while3A : i32
      %add3A_377 = arith.addi %while3A_170, %mul3A_376 : i32
      %mul3A_378 = arith.constant 8 : i32
      %mul3A_379 = arith.muli %add3A_377, %mul3A_378 : i32
      %multiple_of3A_380 = tpu.assume_multiple %mul3A_379, 8 : i32
      %mul3A_381 = arith.constant 8 : i32
      %mul3A_382 = arith.muli %add3A_377, %mul3A_381 : i32
      %multiple_of3A_383 = tpu.assume_multiple %mul3A_382, 8 : i32
      %dma_start3A_384 = arith.constant 0 : i32
      %dma_start3A_385 = tpu.memref_slice %arg7[%multiple_of3A_383, %dma_start3A_384] : memref<288x256xf32, #tpu.memory_space<vmem>> -> memref<8x256xf32, #tpu.memory_space<vmem>>
      %dma_start3A_386 = tpu.memref_slice %arg6[%multiple_of3A_380] : memref<2048xi32, #tpu.memory_space<vmem>> -> memref<8xi32, #tpu.memory_space<vmem>>
      %dma_start3A_387 = arith.constant 0 : i32
      %dma_start3A_388 = arith.constant 0 : i32
      %dma_start3A_389 = tpu.memref_slice %arg2[%dma_start3A_387, %dma_start3A_388] : memref<32768x256xf32, #tpu.memory_space<hbm>> -> memref<32768x256xf32, #tpu.memory_space<hbm>>
      tpu.enqueue_indirect_dma source(%dma_start3A_389 : memref<32768x256xf32, #tpu.memory_space<hbm>>) target(%dma_start3A_385 : memref<8x256xf32, #tpu.memory_space<vmem>>) offsets(%dma_start3A_386 : memref<8xi32, #tpu.memory_space<vmem>>) semaphore(%arg10 : memref<!tpu.dma_semaphore, #tpu.memory_space<semaphore_mem>>)
    }
    %min3A_180 = arith.constant 2 : i32
    %min3A_181 = arith.minsi %select_n3A, %min3A_180 : i32
    %sub3A_182 = arith.constant 2 : i32
    %sub3A_183 = arith.subi %sub3A_182, %min3A_181 : i32
    %sub3A_184 = arith.constant 1 : i32
    %sub3A_185 = arith.constant 1 : i32
    %sub3A_186 = arith.subi %sub3A_184, %sub3A_185 : i32
    %add3A_187 = arith.addi %sub3A_183, %sub3A_186 : i32
    %div3A_188 = arith.constant 1 : i32
    %div3A_189 = arith.divsi %add3A_187, %div3A_188 : i32
    %while3A_190 = arith.constant 1 : i32
    %while3A_191 = arith.constant 0 : i32
    %while3A_192 = arith.subi %div3A_189, %while3A_191 : i32
    %while3A_193 = arith.addi %while3A_191, %while3A_192 : i32
    %while3A_194 = arith.constant 1 : i32
    %while3A_195 = arith.divsi %while3A_192, %while3A_194 : i32
    %while3A_196 = arith.muli %while3A_195, %while3A_194 : i32
    %while3A_197 = arith.addi %while3A_191, %while3A_196 : i32
    %while3A_198 = arith.constant 1 : i32
    scf.for %while3A_375 = %while3A_191 to %while3A_197 step %while3A_198  : i32 {
      %mul3A_376 = arith.muli %while3A_375, %while3A_190 : i32
      %add3A_377 = arith.addi %min3A_181, %mul3A_376 : i32
      %mul3A_378 = arith.constant 32 : i32
      %mul3A_379 = arith.muli %add3A_377, %mul3A_378 : i32
      %multiple_of3A_380 = tpu.assume_multiple %mul3A_379, 32 : i32
      %mul3A_381 = arith.constant 256 : i32
      %mul3A_382 = arith.muli %arg0, %mul3A_381 : i32
      %dma_start3A_383 = tpu.memref_slice %arg4[%arg1, %multiple_of3A_380, %mul3A_382] : memref<16x256x512xf32, #tpu.memory_space<hbm>> -> memref<1x32x256xf32, #tpu.memory_space<hbm>>
      %dma_start3A_384 = tpu.memref_squeeze %dma_start3A_383 : memref<1x32x256xf32, #tpu.memory_space<hbm>> -> memref<32x256xf32, #tpu.memory_space<hbm>>
      %dma_start3A_385 = tpu.memref_slice %arg4[%arg1, %multiple_of3A_380, %mul3A_382] : memref<16x256x512xf32, #tpu.memory_space<hbm>> -> memref<1x32x256xf32, #tpu.memory_space<hbm>>
      %dma_start3A_386 = tpu.memref_squeeze %dma_start3A_385 : memref<1x32x256xf32, #tpu.memory_space<hbm>> -> memref<32x256xf32, #tpu.memory_space<hbm>>
      tpu.enqueue_dma source(%arg8 : memref<32x256xf32, #tpu.memory_space<vmem>>) target(%dma_start3A_386 : memref<32x256xf32, #tpu.memory_space<hbm>>) target_semaphore(%arg11 : memref<!tpu.dma_semaphore, #tpu.memory_space<semaphore_mem>>)
    }
    %while3A_199 = arith.constant 1 : i32
    scf.for %while3A_375 = %while3A_197 to %while3A_193 step %while3A_199  : i32 {
      %mul3A_376 = arith.muli %while3A_375, %while3A_190 : i32
      %add3A_377 = arith.addi %min3A_181, %mul3A_376 : i32
      %mul3A_378 = arith.constant 32 : i32
      %mul3A_379 = arith.muli %add3A_377, %mul3A_378 : i32
      %multiple_of3A_380 = tpu.assume_multiple %mul3A_379, 32 : i32
      %mul3A_381 = arith.constant 256 : i32
      %mul3A_382 = arith.muli %arg0, %mul3A_381 : i32
      %dma_start3A_383 = tpu.memref_slice %arg4[%arg1, %multiple_of3A_380, %mul3A_382] : memref<16x256x512xf32, #tpu.memory_space<hbm>> -> memref<1x32x256xf32, #tpu.memory_space<hbm>>
      %dma_start3A_384 = tpu.memref_squeeze %dma_start3A_383 : memref<1x32x256xf32, #tpu.memory_space<hbm>> -> memref<32x256xf32, #tpu.memory_space<hbm>>
      %dma_start3A_385 = tpu.memref_slice %arg4[%arg1, %multiple_of3A_380, %mul3A_382] : memref<16x256x512xf32, #tpu.memory_space<hbm>> -> memref<1x32x256xf32, #tpu.memory_space<hbm>>
      %dma_start3A_386 = tpu.memref_squeeze %dma_start3A_385 : memref<1x32x256xf32, #tpu.memory_space<hbm>> -> memref<32x256xf32, #tpu.memory_space<hbm>>
      tpu.enqueue_dma source(%arg8 : memref<32x256xf32, #tpu.memory_space<vmem>>) target(%dma_start3A_386 : memref<32x256xf32, #tpu.memory_space<hbm>>) target_semaphore(%arg11 : memref<!tpu.dma_semaphore, #tpu.memory_space<semaphore_mem>>)
    }
    %sub3A_200 = arith.constant 0 : i32
    %sub3A_201 = arith.subi %select_n3A_161, %sub3A_200 : i32
    %sub3A_202 = arith.constant 1 : i32
    %sub3A_203 = arith.constant 1 : i32
    %sub3A_204 = arith.subi %sub3A_202, %sub3A_203 : i32
    %add3A_205 = arith.addi %sub3A_201, %sub3A_204 : i32
    %div3A_206 = arith.constant 1 : i32
    %div3A_207 = arith.divsi %add3A_205, %div3A_206 : i32
    %while3A_208 = arith.constant 1 : i32
    %while3A_209 = arith.constant 0 : i32
    %while3A_210 = arith.constant 0 : i32
    %while3A_211 = arith.subi %div3A_207, %while3A_210 : i32
    %while3A_212 = arith.addi %while3A_210, %while3A_211 : i32
    %while3A_213 = arith.constant 1 : i32
    %while3A_214 = arith.divsi %while3A_211, %while3A_213 : i32
    %while3A_215 = arith.muli %while3A_214, %while3A_213 : i32
    %while3A_216 = arith.addi %while3A_210, %while3A_215 : i32
    %while3A_217 = arith.constant 1 : i32
    scf.for %while3A_375 = %while3A_210 to %while3A_216 step %while3A_217  : i32 {
      %mul3A_376 = arith.muli %while3A_375, %while3A_208 : i32
      %add3A_377 = arith.addi %while3A_209, %mul3A_376 : i32
      %mul3A_378 = arith.constant 8 : i32
      %mul3A_379 = arith.muli %add3A_377, %mul3A_378 : i32
      %multiple_of3A_380 = tpu.assume_multiple %mul3A_379, 8 : i32
      %mul3A_381 = arith.constant 8 : i32
      %mul3A_382 = arith.muli %add3A_377, %mul3A_381 : i32
      %multiple_of3A_383 = tpu.assume_multiple %mul3A_382, 8 : i32
      %dma_wait3A_384 = arith.constant 0 : i32
      %dma_wait3A_385 = tpu.memref_slice %arg7[%multiple_of3A_383, %dma_wait3A_384] : memref<288x256xf32, #tpu.memory_space<vmem>> -> memref<8x256xf32, #tpu.memory_space<vmem>>
      %dma_wait3A_386 = tpu.memref_slice %arg6[%multiple_of3A_380] : memref<2048xi32, #tpu.memory_space<vmem>> -> memref<8xi32, #tpu.memory_space<vmem>>
      %dma_wait3A_387 = arith.constant 0 : i32
      %dma_wait3A_388 = arith.constant 0 : i32
      %dma_wait3A_389 = tpu.memref_slice %arg2[%dma_wait3A_387, %dma_wait3A_388] : memref<32768x256xf32, #tpu.memory_space<hbm>> -> memref<32768x256xf32, #tpu.memory_space<hbm>>
      tpu.wait_indirect_dma semaphore(%arg10 : memref<!tpu.dma_semaphore, #tpu.memory_space<semaphore_mem>>) src(%dma_wait3A_389 : memref<32768x256xf32, #tpu.memory_space<hbm>>) dst(%dma_wait3A_385 : memref<8x256xf32, #tpu.memory_space<vmem>>)
    }
    %while3A_218 = arith.constant 1 : i32
    scf.for %while3A_375 = %while3A_216 to %while3A_212 step %while3A_218  : i32 {
      %mul3A_376 = arith.muli %while3A_375, %while3A_208 : i32
      %add3A_377 = arith.addi %while3A_209, %mul3A_376 : i32
      %mul3A_378 = arith.constant 8 : i32
      %mul3A_379 = arith.muli %add3A_377, %mul3A_378 : i32
      %multiple_of3A_380 = tpu.assume_multiple %mul3A_379, 8 : i32
      %mul3A_381 = arith.constant 8 : i32
      %mul3A_382 = arith.muli %add3A_377, %mul3A_381 : i32
      %multiple_of3A_383 = tpu.assume_multiple %mul3A_382, 8 : i32
      %dma_wait3A_384 = arith.constant 0 : i32
      %dma_wait3A_385 = tpu.memref_slice %arg7[%multiple_of3A_383, %dma_wait3A_384] : memref<288x256xf32, #tpu.memory_space<vmem>> -> memref<8x256xf32, #tpu.memory_space<vmem>>
      %dma_wait3A_386 = tpu.memref_slice %arg6[%multiple_of3A_380] : memref<2048xi32, #tpu.memory_space<vmem>> -> memref<8xi32, #tpu.memory_space<vmem>>
      %dma_wait3A_387 = arith.constant 0 : i32
      %dma_wait3A_388 = arith.constant 0 : i32
      %dma_wait3A_389 = tpu.memref_slice %arg2[%dma_wait3A_387, %dma_wait3A_388] : memref<32768x256xf32, #tpu.memory_space<hbm>> -> memref<32768x256xf32, #tpu.memory_space<hbm>>
      tpu.wait_indirect_dma semaphore(%arg10 : memref<!tpu.dma_semaphore, #tpu.memory_space<semaphore_mem>>) src(%dma_wait3A_389 : memref<32768x256xf32, #tpu.memory_space<hbm>>) dst(%dma_wait3A_385 : memref<8x256xf32, #tpu.memory_space<vmem>>)
    }
    %add3A_219 = arith.constant 0 : i32
    %add3A_220 = vector.broadcast %add3A_219 : i32 to vector<16xi32>
    %add3A_221 = arith.addi %add3A_220, %iota3A : vector<16xi32>
    %add3A_222 = arith.constant 16 : i32
    %add3A_223 = vector.broadcast %add3A_222 : i32 to vector<16xi32>
    %add3A_224 = arith.addi %add3A_223, %iota3A : vector<16xi32>
    %add3A_225 = arith.constant 32 : i32
    %add3A_226 = vector.broadcast %add3A_225 : i32 to vector<16xi32>
    %add3A_227 = arith.addi %add3A_226, %iota3A : vector<16xi32>
    %add3A_228 = arith.constant 48 : i32
    %add3A_229 = vector.broadcast %add3A_228 : i32 to vector<16xi32>
    %add3A_230 = arith.addi %add3A_229, %iota3A : vector<16xi32>
    %add3A_231 = arith.constant 64 : i32
    %add3A_232 = vector.broadcast %add3A_231 : i32 to vector<16xi32>
    %add3A_233 = arith.addi %add3A_232, %iota3A : vector<16xi32>
    %add3A_234 = arith.constant 80 : i32
    %add3A_235 = vector.broadcast %add3A_234 : i32 to vector<16xi32>
    %add3A_236 = arith.addi %add3A_235, %iota3A : vector<16xi32>
    %add3A_237 = arith.constant 96 : i32
    %add3A_238 = vector.broadcast %add3A_237 : i32 to vector<16xi32>
    %add3A_239 = arith.addi %add3A_238, %iota3A : vector<16xi32>
    %add3A_240 = arith.constant 112 : i32
    %add3A_241 = vector.broadcast %add3A_240 : i32 to vector<16xi32>
    %add3A_242 = arith.addi %add3A_241, %iota3A : vector<16xi32>
    %add3A_243 = arith.constant 128 : i32
    %add3A_244 = vector.broadcast %add3A_243 : i32 to vector<16xi32>
    %add3A_245 = arith.addi %add3A_244, %iota3A : vector<16xi32>
    %add3A_246 = arith.constant 144 : i32
    %add3A_247 = vector.broadcast %add3A_246 : i32 to vector<16xi32>
    %add3A_248 = arith.addi %add3A_247, %iota3A : vector<16xi32>
    %add3A_249 = arith.constant 160 : i32
    %add3A_250 = vector.broadcast %add3A_249 : i32 to vector<16xi32>
    %add3A_251 = arith.addi %add3A_250, %iota3A : vector<16xi32>
    %add3A_252 = arith.constant 176 : i32
    %add3A_253 = vector.broadcast %add3A_252 : i32 to vector<16xi32>
    %add3A_254 = arith.addi %add3A_253, %iota3A : vector<16xi32>
    %add3A_255 = arith.constant 192 : i32
    %add3A_256 = vector.broadcast %add3A_255 : i32 to vector<16xi32>
    %add3A_257 = arith.addi %add3A_256, %iota3A : vector<16xi32>
    %add3A_258 = arith.constant 208 : i32
    %add3A_259 = vector.broadcast %add3A_258 : i32 to vector<16xi32>
    %add3A_260 = arith.addi %add3A_259, %iota3A : vector<16xi32>
    %add3A_261 = arith.constant 224 : i32
    %add3A_262 = vector.broadcast %add3A_261 : i32 to vector<16xi32>
    %add3A_263 = arith.addi %add3A_262, %iota3A : vector<16xi32>
    %add3A_264 = arith.constant 240 : i32
    %add3A_265 = vector.broadcast %add3A_264 : i32 to vector<16xi32>
    %add3A_266 = arith.addi %add3A_265, %iota3A : vector<16xi32>
    %jit3A_267 = arith.constant 32 : i32
    %eq3A = arith.constant 0 : i32
    %eq3A_268 = arith.cmpi eq, %jit3A_267, %eq3A : i32
    %jit3A_269 = arith.constant 1 : i32
    %select_n3A_270 = arith.select %eq3A_268, %jit3A_269, %jit3A_267 : i32
    %rem3A_271 = arith.remsi %min3A_113, %select_n3A_270 : i32
    %ne3A_272 = arith.constant 0 : i32
    %ne3A_273 = arith.cmpi ne, %rem3A_271, %ne3A_272 : i32
    %lt3A = arith.constant 0 : i32
    %lt3A_274 = arith.cmpi slt, %rem3A_271, %lt3A : i32
    %lt3A_275 = arith.constant 0 : i32
    %lt3A_276 = arith.cmpi slt, %select_n3A_270, %lt3A_275 : i32
    %ne3A_277 = arith.xori %lt3A_274, %lt3A_276 : i1
    %and3A_278 = arith.andi %ne3A_277, %ne3A_273 : i1
    %add3A_279 = arith.addi %rem3A_271, %select_n3A_270 : i32
    %select_n3A_280 = arith.select %and3A_278, %add3A_279, %rem3A_271 : i32
    %sub3A_281 = arith.constant 32 : i32
    %sub3A_282 = arith.subi %sub3A_281, %select_n3A_280 : i32
    %jit3A_283 = arith.constant 32 : i32
    %eq3A_284 = arith.constant 0 : i32
    %eq3A_285 = arith.cmpi eq, %jit3A_283, %eq3A_284 : i32
    %jit3A_286 = arith.constant 1 : i32
    %select_n3A_287 = arith.select %eq3A_285, %jit3A_286, %jit3A_283 : i32
    %rem3A_288 = arith.remsi %sub3A_282, %select_n3A_287 : i32
    %ne3A_289 = arith.constant 0 : i32
    %ne3A_290 = arith.cmpi ne, %rem3A_288, %ne3A_289 : i32
    %lt3A_291 = arith.constant 0 : i32
    %lt3A_292 = arith.cmpi slt, %rem3A_288, %lt3A_291 : i32
    %lt3A_293 = arith.constant 0 : i32
    %lt3A_294 = arith.cmpi slt, %select_n3A_287, %lt3A_293 : i32
    %ne3A_295 = arith.xori %lt3A_292, %lt3A_294 : i1
    %and3A_296 = arith.andi %ne3A_295, %ne3A_290 : i1
    %add3A_297 = arith.addi %rem3A_288, %select_n3A_287 : i32
    %select_n3A_298 = arith.select %and3A_296, %add3A_297, %rem3A_288 : i32
    %add3A_299 = arith.addi %min3A_113, %select_n3A_298 : i32
    %sub3A_300 = arith.subi %add3A_299, %min3A_113 : i32
    %sub3A_301 = arith.constant 1 : i32
    %sub3A_302 = arith.constant 1 : i32
    %sub3A_303 = arith.subi %sub3A_301, %sub3A_302 : i32
    %add3A_304 = arith.addi %sub3A_300, %sub3A_303 : i32
    %div3A_305 = arith.constant 1 : i32
    %div3A_306 = arith.divsi %add3A_304, %div3A_305 : i32
    %while3A_307 = arith.constant 1 : i32
    %while3A_308 = arith.constant 0 : i32
    %while3A_309 = arith.subi %div3A_306, %while3A_308 : i32
    %while3A_310 = arith.addi %while3A_308, %while3A_309 : i32
    %while3A_311 = arith.constant 1 : i32
    %while3A_312 = arith.divsi %while3A_309, %while3A_311 : i32
    %while3A_313 = arith.muli %while3A_312, %while3A_311 : i32
    %while3A_314 = arith.addi %while3A_308, %while3A_313 : i32
    %while3A_315 = arith.constant 1 : i32
    scf.for %while3A_375 = %while3A_308 to %while3A_314 step %while3A_315  : i32 {
      %mul3A_376 = arith.muli %while3A_375, %while3A_307 : i32
      %add3A_377 = arith.addi %min3A_113, %mul3A_376 : i32
      %broadcast_in_dim3A_378 = arith.constant 0 : i32
      %broadcast_in_dim3A_379 = vector.broadcast %broadcast_in_dim3A_378 : i32 to vector<16xi32>
      %add3A_380 = vector.broadcast %add3A_377 : i32 to vector<16xi32>
      %add3A_381 = arith.addi %broadcast_in_dim3A_379, %add3A_380 : vector<16xi32>
      tpu.vector_store_idx %arg7[%add3A_381, %add3A_221], %broadcast_in_dim3A_2 : memref<288x256xf32, #tpu.memory_space<vmem>>[vector<16xi32>, vector<16xi32>], vector<16xf32>,
      tpu.vector_store_idx %arg7[%add3A_381, %add3A_224], %broadcast_in_dim3A_2 : memref<288x256xf32, #tpu.memory_space<vmem>>[vector<16xi32>, vector<16xi32>], vector<16xf32>,
      tpu.vector_store_idx %arg7[%add3A_381, %add3A_227], %broadcast_in_dim3A_2 : memref<288x256xf32, #tpu.memory_space<vmem>>[vector<16xi32>, vector<16xi32>], vector<16xf32>,
      tpu.vector_store_idx %arg7[%add3A_381, %add3A_230], %broadcast_in_dim3A_2 : memref<288x256xf32, #tpu.memory_space<vmem>>[vector<16xi32>, vector<16xi32>], vector<16xf32>,
      tpu.vector_store_idx %arg7[%add3A_381, %add3A_233], %broadcast_in_dim3A_2 : memref<288x256xf32, #tpu.memory_space<vmem>>[vector<16xi32>, vector<16xi32>], vector<16xf32>,
      tpu.vector_store_idx %arg7[%add3A_381, %add3A_236], %broadcast_in_dim3A_2 : memref<288x256xf32, #tpu.memory_space<vmem>>[vector<16xi32>, vector<16xi32>], vector<16xf32>,
      tpu.vector_store_idx %arg7[%add3A_381, %add3A_239], %broadcast_in_dim3A_2 : memref<288x256xf32, #tpu.memory_space<vmem>>[vector<16xi32>, vector<16xi32>], vector<16xf32>,
      tpu.vector_store_idx %arg7[%add3A_381, %add3A_242], %broadcast_in_dim3A_2 : memref<288x256xf32, #tpu.memory_space<vmem>>[vector<16xi32>, vector<16xi32>], vector<16xf32>,
      tpu.vector_store_idx %arg7[%add3A_381, %add3A_245], %broadcast_in_dim3A_2 : memref<288x256xf32, #tpu.memory_space<vmem>>[vector<16xi32>, vector<16xi32>], vector<16xf32>,
      tpu.vector_store_idx %arg7[%add3A_381, %add3A_248], %broadcast_in_dim3A_2 : memref<288x256xf32, #tpu.memory_space<vmem>>[vector<16xi32>, vector<16xi32>], vector<16xf32>,
      tpu.vector_store_idx %arg7[%add3A_381, %add3A_251], %broadcast_in_dim3A_2 : memref<288x256xf32, #tpu.memory_space<vmem>>[vector<16xi32>, vector<16xi32>], vector<16xf32>,
      tpu.vector_store_idx %arg7[%add3A_381, %add3A_254], %broadcast_in_dim3A_2 : memref<288x256xf32, #tpu.memory_space<vmem>>[vector<16xi32>, vector<16xi32>], vector<16xf32>,
      tpu.vector_store_idx %arg7[%add3A_381, %add3A_257], %broadcast_in_dim3A_2 : memref<288x256xf32, #tpu.memory_space<vmem>>[vector<16xi32>, vector<16xi32>], vector<16xf32>,
      tpu.vector_store_idx %arg7[%add3A_381, %add3A_260], %broadcast_in_dim3A_2 : memref<288x256xf32, #tpu.memory_space<vmem>>[vector<16xi32>, vector<16xi32>], vector<16xf32>,
      tpu.vector_store_idx %arg7[%add3A_381, %add3A_263], %broadcast_in_dim3A_2 : memref<288x256xf32, #tpu.memory_space<vmem>>[vector<16xi32>, vector<16xi32>], vector<16xf32>,
      tpu.vector_store_idx %arg7[%add3A_381, %add3A_266], %broadcast_in_dim3A_2 : memref<288x256xf32, #tpu.memory_space<vmem>>[vector<16xi32>, vector<16xi32>], vector<16xf32>,
    }
    %while3A_316 = arith.constant 1 : i32
    scf.for %while3A_375 = %while3A_314 to %while3A_310 step %while3A_316  : i32 {
      %mul3A_376 = arith.muli %while3A_375, %while3A_307 : i32
      %add3A_377 = arith.addi %min3A_113, %mul3A_376 : i32
      %broadcast_in_dim3A_378 = arith.constant 0 : i32
      %broadcast_in_dim3A_379 = vector.broadcast %broadcast_in_dim3A_378 : i32 to vector<16xi32>
      %add3A_380 = vector.broadcast %add3A_377 : i32 to vector<16xi32>
      %add3A_381 = arith.addi %broadcast_in_dim3A_379, %add3A_380 : vector<16xi32>
      tpu.vector_store_idx %arg7[%add3A_381, %add3A_221], %broadcast_in_dim3A_2 : memref<288x256xf32, #tpu.memory_space<vmem>>[vector<16xi32>, vector<16xi32>], vector<16xf32>,
      tpu.vector_store_idx %arg7[%add3A_381, %add3A_224], %broadcast_in_dim3A_2 : memref<288x256xf32, #tpu.memory_space<vmem>>[vector<16xi32>, vector<16xi32>], vector<16xf32>,
      tpu.vector_store_idx %arg7[%add3A_381, %add3A_227], %broadcast_in_dim3A_2 : memref<288x256xf32, #tpu.memory_space<vmem>>[vector<16xi32>, vector<16xi32>], vector<16xf32>,
      tpu.vector_store_idx %arg7[%add3A_381, %add3A_230], %broadcast_in_dim3A_2 : memref<288x256xf32, #tpu.memory_space<vmem>>[vector<16xi32>, vector<16xi32>], vector<16xf32>,
      tpu.vector_store_idx %arg7[%add3A_381, %add3A_233], %broadcast_in_dim3A_2 : memref<288x256xf32, #tpu.memory_space<vmem>>[vector<16xi32>, vector<16xi32>], vector<16xf32>,
      tpu.vector_store_idx %arg7[%add3A_381, %add3A_236], %broadcast_in_dim3A_2 : memref<288x256xf32, #tpu.memory_space<vmem>>[vector<16xi32>, vector<16xi32>], vector<16xf32>,
      tpu.vector_store_idx %arg7[%add3A_381, %add3A_239], %broadcast_in_dim3A_2 : memref<288x256xf32, #tpu.memory_space<vmem>>[vector<16xi32>, vector<16xi32>], vector<16xf32>,
      tpu.vector_store_idx %arg7[%add3A_381, %add3A_242], %broadcast_in_dim3A_2 : memref<288x256xf32, #tpu.memory_space<vmem>>[vector<16xi32>, vector<16xi32>], vector<16xf32>,
      tpu.vector_store_idx %arg7[%add3A_381, %add3A_245], %broadcast_in_dim3A_2 : memref<288x256xf32, #tpu.memory_space<vmem>>[vector<16xi32>, vector<16xi32>], vector<16xf32>,
      tpu.vector_store_idx %arg7[%add3A_381, %add3A_248], %broadcast_in_dim3A_2 : memref<288x256xf32, #tpu.memory_space<vmem>>[vector<16xi32>, vector<16xi32>], vector<16xf32>,
      tpu.vector_store_idx %arg7[%add3A_381, %add3A_251], %broadcast_in_dim3A_2 : memref<288x256xf32, #tpu.memory_space<vmem>>[vector<16xi32>, vector<16xi32>], vector<16xf32>,
      tpu.vector_store_idx %arg7[%add3A_381, %add3A_254], %broadcast_in_dim3A_2 : memref<288x256xf32, #tpu.memory_space<vmem>>[vector<16xi32>, vector<16xi32>], vector<16xf32>,
      tpu.vector_store_idx %arg7[%add3A_381, %add3A_257], %broadcast_in_dim3A_2 : memref<288x256xf32, #tpu.memory_space<vmem>>[vector<16xi32>, vector<16xi32>], vector<16xf32>,
      tpu.vector_store_idx %arg7[%add3A_381, %add3A_260], %broadcast_in_dim3A_2 : memref<288x256xf32, #tpu.memory_space<vmem>>[vector<16xi32>, vector<16xi32>], vector<16xf32>,
      tpu.vector_store_idx %arg7[%add3A_381, %add3A_263], %broadcast_in_dim3A_2 : memref<288x256xf32, #tpu.memory_space<vmem>>[vector<16xi32>, vector<16xi32>], vector<16xf32>,
      tpu.vector_store_idx %arg7[%add3A_381, %add3A_266], %broadcast_in_dim3A_2 : memref<288x256xf32, #tpu.memory_space<vmem>>[vector<16xi32>, vector<16xi32>], vector<16xf32>,
    }
    %sub3A_317 = arith.constant 0 : i32
    %sub3A_318 = arith.subi %select_n3A, %sub3A_317 : i32
    %sub3A_319 = arith.constant 1 : i32
    %sub3A_320 = arith.constant 1 : i32
    %sub3A_321 = arith.subi %sub3A_319, %sub3A_320 : i32
    %add3A_322 = arith.addi %sub3A_318, %sub3A_321 : i32
    %div3A_323 = arith.constant 1 : i32
    %div3A_324 = arith.divsi %add3A_322, %div3A_323 : i32
    %while3A_325 = arith.constant 1 : i32
    %while3A_326 = arith.constant 0 : i32
    %while3A_327 = arith.constant 0 : i32
    %while3A_328 = arith.subi %div3A_324, %while3A_327 : i32
    %while3A_329 = arith.addi %while3A_327, %while3A_328 : i32
    %while3A_330 = arith.constant 1 : i32
    %while3A_331 = arith.divsi %while3A_328, %while3A_330 : i32
    %while3A_332 = arith.muli %while3A_331, %while3A_330 : i32
    %while3A_333 = arith.addi %while3A_327, %while3A_332 : i32
    %while3A_334 = arith.constant 1 : i32
    scf.for %while3A_375 = %while3A_327 to %while3A_333 step %while3A_334  : i32 {
      %mul3A_376 = arith.muli %while3A_375, %while3A_325 : i32
      %add3A_377 = arith.addi %while3A_326, %mul3A_376 : i32
      %mul3A_378 = arith.constant 32 : i32
      %mul3A_379 = arith.muli %add3A_377, %mul3A_378 : i32
      %multiple_of3A_380 = tpu.assume_multiple %mul3A_379, 32 : i32
      %mul3A_381 = arith.constant 32 : i32
      %mul3A_382 = arith.muli %add3A_377, %mul3A_381 : i32
      %multiple_of3A_383 = tpu.assume_multiple %mul3A_382, 32 : i32
      %mul3A_384 = arith.constant 256 : i32
      %mul3A_385 = arith.muli %arg0, %mul3A_384 : i32
      %dma_start3A_386 = arith.constant 0 : i32
      %dma_start3A_387 = tpu.memref_slice %arg7[%multiple_of3A_380, %dma_start3A_386] : memref<288x256xf32, #tpu.memory_space<vmem>> -> memref<32x256xf32, #tpu.memory_space<vmem>>
      %dma_start3A_388 = tpu.memref_slice %arg4[%arg1, %multiple_of3A_383, %mul3A_385] : memref<16x256x512xf32, #tpu.memory_space<hbm>> -> memref<1x32x256xf32, #tpu.memory_space<hbm>>
      %dma_start3A_389 = tpu.memref_squeeze %dma_start3A_388 : memref<1x32x256xf32, #tpu.memory_space<hbm>> -> memref<32x256xf32, #tpu.memory_space<hbm>>
      %dma_start3A_390 = tpu.memref_slice %arg4[%arg1, %multiple_of3A_383, %mul3A_385] : memref<16x256x512xf32, #tpu.memory_space<hbm>> -> memref<1x32x256xf32, #tpu.memory_space<hbm>>
      %dma_start3A_391 = tpu.memref_squeeze %dma_start3A_390 : memref<1x32x256xf32, #tpu.memory_space<hbm>> -> memref<32x256xf32, #tpu.memory_space<hbm>>
      %dma_start3A_392 = arith.constant 0 : i32
      %dma_start3A_393 = tpu.memref_slice %arg7[%multiple_of3A_380, %dma_start3A_392] : memref<288x256xf32, #tpu.memory_space<vmem>> -> memref<32x256xf32, #tpu.memory_space<vmem>>
      tpu.enqueue_dma source(%dma_start3A_393 : memref<32x256xf32, #tpu.memory_space<vmem>>) target(%dma_start3A_391 : memref<32x256xf32, #tpu.memory_space<hbm>>) target_semaphore(%arg12 : memref<!tpu.dma_semaphore, #tpu.memory_space<semaphore_mem>>)
    }
    %while3A_335 = arith.constant 1 : i32
    scf.for %while3A_375 = %while3A_333 to %while3A_329 step %while3A_335  : i32 {
      %mul3A_376 = arith.muli %while3A_375, %while3A_325 : i32
      %add3A_377 = arith.addi %while3A_326, %mul3A_376 : i32
      %mul3A_378 = arith.constant 32 : i32
      %mul3A_379 = arith.muli %add3A_377, %mul3A_378 : i32
      %multiple_of3A_380 = tpu.assume_multiple %mul3A_379, 32 : i32
      %mul3A_381 = arith.constant 32 : i32
      %mul3A_382 = arith.muli %add3A_377, %mul3A_381 : i32
      %multiple_of3A_383 = tpu.assume_multiple %mul3A_382, 32 : i32
      %mul3A_384 = arith.constant 256 : i32
      %mul3A_385 = arith.muli %arg0, %mul3A_384 : i32
      %dma_start3A_386 = arith.constant 0 : i32
      %dma_start3A_387 = tpu.memref_slice %arg7[%multiple_of3A_380, %dma_start3A_386] : memref<288x256xf32, #tpu.memory_space<vmem>> -> memref<32x256xf32, #tpu.memory_space<vmem>>
      %dma_start3A_388 = tpu.memref_slice %arg4[%arg1, %multiple_of3A_383, %mul3A_385] : memref<16x256x512xf32, #tpu.memory_space<hbm>> -> memref<1x32x256xf32, #tpu.memory_space<hbm>>
      %dma_start3A_389 = tpu.memref_squeeze %dma_start3A_388 : memref<1x32x256xf32, #tpu.memory_space<hbm>> -> memref<32x256xf32, #tpu.memory_space<hbm>>
      %dma_start3A_390 = tpu.memref_slice %arg4[%arg1, %multiple_of3A_383, %mul3A_385] : memref<16x256x512xf32, #tpu.memory_space<hbm>> -> memref<1x32x256xf32, #tpu.memory_space<hbm>>
      %dma_start3A_391 = tpu.memref_squeeze %dma_start3A_390 : memref<1x32x256xf32, #tpu.memory_space<hbm>> -> memref<32x256xf32, #tpu.memory_space<hbm>>
      %dma_start3A_392 = arith.constant 0 : i32
      %dma_start3A_393 = tpu.memref_slice %arg7[%multiple_of3A_380, %dma_start3A_392] : memref<288x256xf32, #tpu.memory_space<vmem>> -> memref<32x256xf32, #tpu.memory_space<vmem>>
      tpu.enqueue_dma source(%dma_start3A_393 : memref<32x256xf32, #tpu.memory_space<vmem>>) target(%dma_start3A_391 : memref<32x256xf32, #tpu.memory_space<hbm>>) target_semaphore(%arg12 : memref<!tpu.dma_semaphore, #tpu.memory_space<semaphore_mem>>)
    }
    %min3A_336 = arith.constant 2 : i32
    %min3A_337 = arith.minsi %select_n3A, %min3A_336 : i32
    %sub3A_338 = arith.constant 8 : i32
    %sub3A_339 = arith.subi %sub3A_338, %min3A_337 : i32
    %sub3A_340 = arith.constant 1 : i32
    %sub3A_341 = arith.constant 1 : i32
    %sub3A_342 = arith.subi %sub3A_340, %sub3A_341 : i32
    %add3A_343 = arith.addi %sub3A_339, %sub3A_342 : i32
    %div3A_344 = arith.constant 1 : i32
    %div3A_345 = arith.divsi %add3A_343, %div3A_344 : i32
    %while3A_346 = arith.constant 1 : i32
    %while3A_347 = arith.constant 0 : i32
    %while3A_348 = arith.subi %div3A_345, %while3A_347 : i32
    %while3A_349 = arith.addi %while3A_347, %while3A_348 : i32
    %while3A_350 = arith.constant 1 : i32
    %while3A_351 = arith.divsi %while3A_348, %while3A_350 : i32
    %while3A_352 = arith.muli %while3A_351, %while3A_350 : i32
    %while3A_353 = arith.addi %while3A_347, %while3A_352 : i32
    %while3A_354 = arith.constant 1 : i32
    scf.for %while3A_375 = %while3A_347 to %while3A_353 step %while3A_354  : i32 {
      %mul3A_376 = arith.muli %while3A_375, %while3A_346 : i32
      %add3A_377 = arith.addi %min3A_337, %mul3A_376 : i32
      %mul3A_378 = arith.constant 32 : i32
      %mul3A_379 = arith.muli %add3A_377, %mul3A_378 : i32
      %multiple_of3A_380 = tpu.assume_multiple %mul3A_379, 32 : i32
      %mul3A_381 = arith.constant 256 : i32
      %mul3A_382 = arith.muli %arg0, %mul3A_381 : i32
      %dma_wait3A_383 = tpu.memref_slice %arg4[%arg1, %multiple_of3A_380, %mul3A_382] : memref<16x256x512xf32, #tpu.memory_space<hbm>> -> memref<1x32x256xf32, #tpu.memory_space<hbm>>
      %dma_wait3A_384 = tpu.memref_squeeze %dma_wait3A_383 : memref<1x32x256xf32, #tpu.memory_space<hbm>> -> memref<32x256xf32, #tpu.memory_space<hbm>>
      %dma_wait3A_385 = tpu.memref_slice %arg4[%arg1, %multiple_of3A_380, %mul3A_382] : memref<16x256x512xf32, #tpu.memory_space<hbm>> -> memref<1x32x256xf32, #tpu.memory_space<hbm>>
      %dma_wait3A_386 = tpu.memref_squeeze %dma_wait3A_385 : memref<1x32x256xf32, #tpu.memory_space<hbm>> -> memref<32x256xf32, #tpu.memory_space<hbm>>
      tpu.wait_dma2 semaphore(%arg11 : memref<!tpu.dma_semaphore, #tpu.memory_space<semaphore_mem>>) src(%arg8 : memref<32x256xf32, #tpu.memory_space<vmem>>) dst(%dma_wait3A_386 : memref<32x256xf32, #tpu.memory_space<hbm>>)
    }
    %while3A_355 = arith.constant 1 : i32
    scf.for %while3A_375 = %while3A_353 to %while3A_349 step %while3A_355  : i32 {
      %mul3A_376 = arith.muli %while3A_375, %while3A_346 : i32
      %add3A_377 = arith.addi %min3A_337, %mul3A_376 : i32
      %mul3A_378 = arith.constant 32 : i32
      %mul3A_379 = arith.muli %add3A_377, %mul3A_378 : i32
      %multiple_of3A_380 = tpu.assume_multiple %mul3A_379, 32 : i32
      %mul3A_381 = arith.constant 256 : i32
      %mul3A_382 = arith.muli %arg0, %mul3A_381 : i32
      %dma_wait3A_383 = tpu.memref_slice %arg4[%arg1, %multiple_of3A_380, %mul3A_382] : memref<16x256x512xf32, #tpu.memory_space<hbm>> -> memref<1x32x256xf32, #tpu.memory_space<hbm>>
      %dma_wait3A_384 = tpu.memref_squeeze %dma_wait3A_383 : memref<1x32x256xf32, #tpu.memory_space<hbm>> -> memref<32x256xf32, #tpu.memory_space<hbm>>
      %dma_wait3A_385 = tpu.memref_slice %arg4[%arg1, %multiple_of3A_380, %mul3A_382] : memref<16x256x512xf32, #tpu.memory_space<hbm>> -> memref<1x32x256xf32, #tpu.memory_space<hbm>>
      %dma_wait3A_386 = tpu.memref_squeeze %dma_wait3A_385 : memref<1x32x256xf32, #tpu.memory_space<hbm>> -> memref<32x256xf32, #tpu.memory_space<hbm>>
      tpu.wait_dma2 semaphore(%arg11 : memref<!tpu.dma_semaphore, #tpu.memory_space<semaphore_mem>>) src(%arg8 : memref<32x256xf32, #tpu.memory_space<vmem>>) dst(%dma_wait3A_386 : memref<32x256xf32, #tpu.memory_space<hbm>>)
    }
    %sub3A_356 = arith.constant 0 : i32
    %sub3A_357 = arith.subi %select_n3A, %sub3A_356 : i32
    %sub3A_358 = arith.constant 1 : i32
    %sub3A_359 = arith.constant 1 : i32
    %sub3A_360 = arith.subi %sub3A_358, %sub3A_359 : i32
    %add3A_361 = arith.addi %sub3A_357, %sub3A_360 : i32
    %div3A_362 = arith.constant 1 : i32
    %div3A_363 = arith.divsi %add3A_361, %div3A_362 : i32
    %while3A_364 = arith.constant 1 : i32
    %while3A_365 = arith.constant 0 : i32
    %while3A_366 = arith.constant 0 : i32
    %while3A_367 = arith.subi %div3A_363, %while3A_366 : i32
    %while3A_368 = arith.addi %while3A_366, %while3A_367 : i32
    %while3A_369 = arith.constant 1 : i32
    %while3A_370 = arith.divsi %while3A_367, %while3A_369 : i32
    %while3A_371 = arith.muli %while3A_370, %while3A_369 : i32
    %while3A_372 = arith.addi %while3A_366, %while3A_371 : i32
    %while3A_373 = arith.constant 1 : i32
    scf.for %while3A_375 = %while3A_366 to %while3A_372 step %while3A_373  : i32 {
      %mul3A_376 = arith.muli %while3A_375, %while3A_364 : i32
      %add3A_377 = arith.addi %while3A_365, %mul3A_376 : i32
      %mul3A_378 = arith.constant 32 : i32
      %mul3A_379 = arith.muli %add3A_377, %mul3A_378 : i32
      %multiple_of3A_380 = tpu.assume_multiple %mul3A_379, 32 : i32
      %mul3A_381 = arith.constant 32 : i32
      %mul3A_382 = arith.muli %add3A_377, %mul3A_381 : i32
      %multiple_of3A_383 = tpu.assume_multiple %mul3A_382, 32 : i32
      %mul3A_384 = arith.constant 256 : i32
      %mul3A_385 = arith.muli %arg0, %mul3A_384 : i32
      %dma_wait3A_386 = arith.constant 0 : i32
      %dma_wait3A_387 = tpu.memref_slice %arg7[%multiple_of3A_380, %dma_wait3A_386] : memref<288x256xf32, #tpu.memory_space<vmem>> -> memref<32x256xf32, #tpu.memory_space<vmem>>
      %dma_wait3A_388 = tpu.memref_slice %arg4[%arg1, %multiple_of3A_383, %mul3A_385] : memref<16x256x512xf32, #tpu.memory_space<hbm>> -> memref<1x32x256xf32, #tpu.memory_space<hbm>>
      %dma_wait3A_389 = tpu.memref_squeeze %dma_wait3A_388 : memref<1x32x256xf32, #tpu.memory_space<hbm>> -> memref<32x256xf32, #tpu.memory_space<hbm>>
      %dma_wait3A_390 = tpu.memref_slice %arg4[%arg1, %multiple_of3A_383, %mul3A_385] : memref<16x256x512xf32, #tpu.memory_space<hbm>> -> memref<1x32x256xf32, #tpu.memory_space<hbm>>
      %dma_wait3A_391 = tpu.memref_squeeze %dma_wait3A_390 : memref<1x32x256xf32, #tpu.memory_space<hbm>> -> memref<32x256xf32, #tpu.memory_space<hbm>>
      %dma_wait3A_392 = arith.constant 0 : i32
      %dma_wait3A_393 = tpu.memref_slice %arg7[%multiple_of3A_380, %dma_wait3A_392] : memref<288x256xf32, #tpu.memory_space<vmem>> -> memref<32x256xf32, #tpu.memory_space<vmem>>
      tpu.wait_dma2 semaphore(%arg12 : memref<!tpu.dma_semaphore, #tpu.memory_space<semaphore_mem>>) src(%dma_wait3A_393 : memref<32x256xf32, #tpu.memory_space<vmem>>) dst(%dma_wait3A_391 : memref<32x256xf32, #tpu.memory_space<hbm>>)
    }
    %while3A_374 = arith.constant 1 : i32
    scf.for %while3A_375 = %while3A_372 to %while3A_368 step %while3A_374  : i32 {
      %mul3A_376 = arith.muli %while3A_375, %while3A_364 : i32
      %add3A_377 = arith.addi %while3A_365, %mul3A_376 : i32
      %mul3A_378 = arith.constant 32 : i32
      %mul3A_379 = arith.muli %add3A_377, %mul3A_378 : i32
      %multiple_of3A_380 = tpu.assume_multiple %mul3A_379, 32 : i32
      %mul3A_381 = arith.constant 32 : i32
      %mul3A_382 = arith.muli %add3A_377, %mul3A_381 : i32
      %multiple_of3A_383 = tpu.assume_multiple %mul3A_382, 32 : i32
      %mul3A_384 = arith.constant 256 : i32
      %mul3A_385 = arith.muli %arg0, %mul3A_384 : i32
      %dma_wait3A_386 = arith.constant 0 : i32
      %dma_wait3A_387 = tpu.memref_slice %arg7[%multiple_of3A_380, %dma_wait3A_386] : memref<288x256xf32, #tpu.memory_space<vmem>> -> memref<32x256xf32, #tpu.memory_space<vmem>>
      %dma_wait3A_388 = tpu.memref_slice %arg4[%arg1, %multiple_of3A_383, %mul3A_385] : memref<16x256x512xf32, #tpu.memory_space<hbm>> -> memref<1x32x256xf32, #tpu.memory_space<hbm>>
      %dma_wait3A_389 = tpu.memref_squeeze %dma_wait3A_388 : memref<1x32x256xf32, #tpu.memory_space<hbm>> -> memref<32x256xf32, #tpu.memory_space<hbm>>
      %dma_wait3A_390 = tpu.memref_slice %arg4[%arg1, %multiple_of3A_383, %mul3A_385] : memref<16x256x512xf32, #tpu.memory_space<hbm>> -> memref<1x32x256xf32, #tpu.memory_space<hbm>>
      %dma_wait3A_391 = tpu.memref_squeeze %dma_wait3A_390 : memref<1x32x256xf32, #tpu.memory_space<hbm>> -> memref<32x256xf32, #tpu.memory_space<hbm>>
      %dma_wait3A_392 = arith.constant 0 : i32
      %dma_wait3A_393 = tpu.memref_slice %arg7[%multiple_of3A_380, %dma_wait3A_392] : memref<288x256xf32, #tpu.memory_space<vmem>> -> memref<32x256xf32, #tpu.memory_space<vmem>>
      tpu.wait_dma2 semaphore(%arg12 : memref<!tpu.dma_semaphore, #tpu.memory_space<semaphore_mem>>) src(%dma_wait3A_393 : memref<32x256xf32, #tpu.memory_space<vmem>>) dst(%dma_wait3A_391 : memref<32x256xf32, #tpu.memory_space<hbm>>)
    }
    return
  }
}

</mosaic_0001>

<sc_bundles>
// kernel: kernel.3.cloned.1.call-start
scs
__scs_entry_jumppad:
0x0: {  	(pc) =	sbr.rel $0x88, $3  }
0x1: {  	(tag) =	ssettag $0x0;
	lr =	simm.s32 $0x1  }
0x2: {  	[smem:$0x3F9F] =	sst lr;
	_ =	strace $0xD0000000  }
0x3: {  	_ = 	snop  }
0x4: {  	_ = 	snop  }
0x5: {  	_ = 	snop  }
0x6: {  	_ = 	snop  }
0x7: {  	_ = 	snop  }
__scs_overlays_trampoline_lowered:
0x8: {  	[smem:$0x3FAE] =	sst s0  }
0x9: {  	[smem:$0x3FAF] =	sst s1  }
0xa: {  	[smem:$0x3FB0] =	sst s2  }
0xb: {  	[smem:$0x3FB1] =	sst s3  }
0xc: {  	[smem:$0x3FB2] =	sst s4  }
0xd: {  	[smem:$0x3FB3] =	sst s5  }
0xe: {  	[smem:$0x3FB4] =	sst s6  }
0xf: {  	[smem:$0x3FB5] =	sst s7  }
0x10: {  	[smem:$0x3FB6] =	sst s8  }
0x11: {  	[smem:$0x3FB7] =	sst s9;
	s0 =	simm.s32 @!p0 $0x0  }
0x12: {  	s1 =	sld [smem:$0x3F9D];
	s0 =	simm.s32 @p0 $0x1  }
0x13: {  	[smem:$0x3FB8] =	sst s0;
	s0 =	simm.s32 @!p1 $0x0  }
0x14: {  	s2 =	sld [smem:$0x3F9C];
	s0 =	simm.s32 @p1 $0x1  }
0x15: {  	[smem:$0x3FB9] =	sst s0;
	s0 =	simm.s32 @!p2 $0x0  }
0x16: {  	s3 =	sld [smem:$0x3FDB];
	s0 =	simm.s32 @p2 $0x1  }
0x17: {  	s4 =	simm.s32 $0x1BF5;
	[smem:$0x3FBB] =	sst s0  }
0x18: {  	s0 =	sld [smem:$0x3F9E];
	_ =	swait.ge [sflag:s4], $0x0  }
0x19: {  	s7 =	sld [smem:$0x3F9F]  }
0x1a: {  	s8 =	sadd.s32 $0xFFFFE003, lr  }
0x1b: {  	s9 =	sadd.s32 $0xFFFFFEF7, lr;
	s5 =	simm.s32 $0xFFFFFFFF;
	p2 =	slt.u32 s8, $0xFFFFF086  }
0x1c: {  	p1 =	slt.u32 s9, $0xF7A;
	s5 =	simm.s32 @!p2 $0x0  }
0x1d: {  	s5 =	simm.s32 @p1 $0x1;
	p0 =	seq.s32 s7, s2  }
0x1e: {  	s7 =	smul.u32 @!p0 $0xF7A, s2;
	p2 =	seq.s32 @!p0 s5, $0x0  }
0x1f: {  	s9 =	smul.u32 $0xF7A, s1;
	s8 =	simm.s32 @!p0 $0x1BF5;
	p2 =	por !p2, p0  }
0x20: {  	[sflag:s8] =	ssyncset.s32 @!p0 $0xFFFFF086;
	s6 =	sadd.s32 @!p0 s3, s7;
	s7 =	simm.s32 @!p0 $0x108  }
0x21: {  	s3 =	sadd.s32 s3, s9;
	s6 =	sadd.s32 @!p0 $0x88, s6;
	s7 =	simm.s32 @p2 $0x1082  }
0x22: {  	[simem:s7], [sflag:s8] =	dma.local @!p0 [hbm:s6], $0xF7A  }
0x23: {  	s9 =	sor.u32 $0xD0000000, s2;
	s6 =	simm.s32 $0x108;
	_ =	swait.ge @!p0 [sflag:s8], $0x0  }
0x24: {  	s3 =	sadd.s32 $0x88, s3;
	s6 =	simm.s32 @!p1 $0x1082;
	[sflag:s4] =	ssyncset.s32 $0xFFFFF086  }
0x25: {  	[simem:s6], [sflag:s4] =	dma.local [hbm:s3], $0xF7A  }
0x26: {  	[smem:$0x3F9F] =	sst s1;
	(tag) =	ssettag s2;
	_ =	strace s9  }
0x27: {  	s1 =	sld [smem:$0x3FAF]  }
0x28: {  	s2 =	sld [smem:$0x3FB0]  }
0x29: {  	s4 =	sld [smem:$0x3FB2]  }
0x2a: {  	p0 =	seq.s32 s5, $0x0;
	s5 =	sld [smem:$0x3FB3]  }
0x2b: {  	s6 =	sld [smem:$0x3FB4]  }
0x2c: {  	s7 =	sld [smem:$0x3FB5]  }
0x2d: {  	s3 =	simm.s32 $0x108;
	s8 =	sld [smem:$0x3FB6]  }
0x2e: {  	s3 =	simm.s32 @!p0 $0x1082;
	s9 =	sld [smem:$0x3FB7]  }
0x2f: {  	lr =	sadd.s32 s0, s3;
	s0 =	sld [smem:$0x3FAE]  }
0x30: {  	s3 =	sld [smem:$0x3FB1]  }
0x31: {  	[smem:$0x3FBA] =	sst s10  }
0x32: {  	s10 =	sld [smem:$0x3FB8];
	_ =	sdelay $0x3  }
0x33: {  	p0 =	seq.s32 s10, $0x1;
	s10 =	sld [smem:$0x3FBA];
	_ =	sdelay $0x3  }
0x34: {  	[smem:$0x3FBA] =	sst s10  }
0x35: {  	s10 =	sld [smem:$0x3FB9];
	_ =	sdelay $0x3  }
0x36: {  	p1 =	seq.s32 s10, $0x1;
	s10 =	sld [smem:$0x3FBA];
	_ =	sdelay $0x3  }
0x37: {  	[smem:$0x3FBA] =	sst s10  }
0x38: {  	s10 =	sld [smem:$0x3FBB]  }
0x39: {  	_ = 	snop;
	(pc) =	sbr.ind lr, $3  }
0x3a: {  	_ = 	snop  }
0x3b: {  	_ = 	snop  }
0x3c: {  	p2 =	seq.s32 s10, $0x1;
	s10 =	sld [smem:$0x3FBA]  }
0x3d: {  	_ =	shalt  }
0x3e: {  	_ =	shalt  }
0x3f: {  	_ =	shalt  }
0x40: {  	_ =	shalt  }
0x41: {  	_ =	shalt  }
0x42: {  	_ =	shalt  }
0x43: {  	_ =	shalt  }
0x44: {  	_ =	shalt  }
0x45: {  	_ =	shalt  }
0x46: {  	_ =	shalt  }
0x47: {  	_ =	shalt  }
0x48: {  	_ =	shalt  }
0x49: {  	_ =	shalt  }
0x4a: {  	_ =	shalt  }
0x4b: {  	_ =	shalt  }
0x4c: {  	_ =	shalt  }
0x4d: {  	_ =	shalt  }
0x4e: {  	_ =	shalt  }
0x4f: {  	_ =	shalt  }
0x50: {  	_ =	shalt  }
0x51: {  	_ =	shalt  }
0x52: {  	_ =	shalt  }
0x53: {  	_ =	shalt  }
0x54: {  	_ =	shalt  }
0x55: {  	_ =	shalt  }
0x56: {  	_ =	shalt  }
0x57: {  	_ =	shalt  }
0x58: {  	_ =	shalt  }
0x59: {  	_ =	shalt  }
0x5a: {  	_ =	shalt  }
0x5b: {  	_ =	shalt  }
0x5c: {  	_ =	shalt  }
0x5d: {  	_ =	shalt  }
0x5e: {  	_ =	shalt  }
0x5f: {  	_ =	shalt  }
0x60: {  	_ =	shalt  }
0x61: {  	_ =	shalt  }
0x62: {  	_ =	shalt  }
0x63: {  	_ =	shalt  }
0x64: {  	_ =	shalt  }
0x65: {  	_ =	shalt  }
0x66: {  	_ =	shalt  }
0x67: {  	_ =	shalt  }
0x68: {  	_ =	shalt  }
0x69: {  	_ =	shalt  }
0x6a: {  	_ =	shalt  }
0x6b: {  	_ =	shalt  }
0x6c: {  	_ =	shalt  }
0x6d: {  	_ =	shalt  }
0x6e: {  	_ =	shalt  }
0x6f: {  	_ =	shalt  }
0x70: {  	_ =	shalt  }
0x71: {  	_ =	shalt  }
0x72: {  	_ =	shalt  }
0x73: {  	_ =	shalt  }
0x74: {  	_ =	shalt  }
0x75: {  	_ =	shalt  }
0x76: {  	_ =	shalt  }
0x77: {  	_ =	shalt  }
0x78: {  	_ =	shalt  }
0x79: {  	_ =	shalt  }
0x7a: {  	_ =	shalt  }
0x7b: {  	_ =	shalt  }
0x7c: {  	_ =	shalt  }
0x7d: {  	_ =	shalt  }
0x7e: {  	_ =	shalt  }
0x7f: {  	_ =	shalt  }
0x80: {  	_ =	shalt  }
0x81: {  	_ =	shalt  }
0x82: {  	_ =	shalt  }
0x83: {  	_ =	shalt  }
0x84: {  	_ =	shalt  }
0x85: {  	_ =	shalt  }
0x86: {  	_ =	shalt  }
0x87: {  	_ =	shalt  }
.Lfunc_end0:
.L_simem_size_0:
called_computation_lowered:
.L_overlay_start_0:
0x88: {  	s2 =	sld [smem:$0x3FD9]  }
0x89: {  	s3 =	sld [smem:$0x3FFE];
	_ =	sdelay $0x1  }
0x8a: {  	s1 =	srdreg.scid  }
0x8b: {  	s0 =	sand.u32 $0x1, s1  }
0x8c: {  	s18 =	sshll.u32 s0, $0xA;
	s2 =	sadd.s32 s3, s2  }
0x8d: {  	s2 =	sadd.s32 s2, s18  }
0x8e: {  	[smem:$0x3FC6] =	sst s2  }
0x8f: {  	_ = 	snop  }
0x90: {  	s2 =	sld [smem:$0x3FC9]  }
0x91: {  	s19 =	sld [smem:$0x3FC8]  }
0x92: {  	s4 =	sld [smem:$0x3FD0];
	(tm) =	ssettm $0x1  }
0x93: {  	s5 =	sld [smem:$0x3FFB];
	_ =	sdelay $0x3  }
0x94: {  	_ =	strace s5  }
0x95: {  	s5 =	sld [smem:$0x3FFC];
	_ =	sdelay $0x3  }
0x96: {  	_ =	strace s5  }
0x97: {  	s5 =	sld [smem:$0x3FFD];
	_ =	sdelay $0x3  }
0x98: {  	_ =	strace s5  }
0x99: {  	_ =	strace $0x8FFFFFFF  }
0x9a: {  	s20 =	sld [smem:$0x3FDB];
	_ =	sdelay $0x1  }
0x9b: {  	s6 =	simm.s32 $_scs_section_size  }
0x9c: {  	s7 =	simm.s32 $_size__tile_overlayer_lowered;
	s8 =	simm.s32 $_tile_overlayer_lowered  }
0x9d: {  	s23 =	simm.s32 $0x1BFF;
	s22 =	sshll.u32 s8, $0x1;
	s5 =	sadd.s32 s6, s20  }
0x9e: {  	s9 =	simm.s32 $0x0;
	s21 =	sshll.u32 s7, $0x1;
	s7 =	sadd.s32 s22, s5  }
0x9f: {  	[timem:s9], [sflag:s23] =	dma.local [hbm:s7], s21  }
0xa0: {  	_ =	swait.ge [sflag:s23], s21  }
0xa1: {  	s6 =	ssub.s32 $0x0, s21;
	[sflag:s23] =	ssyncset.done $0x0  }
0xa2: {  	[sflag:s23] =	ssyncadd.s32 s6;
	_ =	sdelay $0x1  }
0xa3: {  	s24 =	simm.s32 $0x1B8B  }
0xa4: {  	_ =	swait.ge [sflag:s24], $0x1  }
0xa5: {  	[sflag:s24] =	ssyncset.done $0x0  }
0xa6: {  	s25 =	simm.s32 $0x1B8E;
	[sflag:s24] =	ssyncadd.s32 $0xFFFFFFFF  }
0xa7: {  	s26 =	simm.s32 $execute0_lowered;
	[smem:$0x3FD2] =	sst s25  }
0xa8: {  	s6 =	sshll.u32 s26, $0x1;
	_ =	strace $0x80000046;
	[dreg:$0x1] =	wrdreg $0xFFFFFFFF  }
0xa9: {  	s28 =	simm.s32 $_size_execute0_lowered;
	s5 =	sadd.s32 s5, s6;
	[dreg:$0x0] =	wrdreg $0x0  }
0xaa: {  	s6 =	sshll.u32 s28, $0x1;
	[dreg:$0x2] =	wrdreg s5  }
0xab: {  	[dreg:$0x3] =	wrdreg s6  }
0xac: {  	[dreg:$0x4] =	wrdreg $0xC0  }
0xad: {  	_ =	task [dreg:s9], $0x5FFFF  }
0xae: {  	[dreg:$0x1] =	wrdreg $0xFFFFFFFF  }
0xaf: {  	[dreg:$0x0] =	wrdreg $0x60  }
0xb0: {  	[dreg:$0x2] =	wrdreg s2  }
0xb1: {  	[dreg:$0x3] =	wrdreg s19  }
0xb2: {  	[dreg:$0x4] =	wrdreg s4  }
0xb3: {  	[dreg:$0x5] =	wrdreg $0x9  }
0xb4: {  	_ =	task.clear_ibuf [dreg:s9], $0x6FFFF;
	_ =	strace $0x90000046  }
0xb5: {  	s29 =	simm.s32 $0x9;
	_ =	strace $0x80000048  }
0xb6: {  	_ =	swait.ge [sflag:s29], $0x1  }
0xb7: {  	[sflag:s29] =	ssyncadd.s32 $0xFFFFFFFF  }
0xb8: {  	_ =	strace $0x90000048  }
0xb9: {  	_ =	sfence  }
0xba: {  	s30 =	sld [smem:$0x0];
	_ =	sdelay $0x2  }
0xbb: {  	s31 =	sshll.u32 s1, $0xD;
	s1 =	sshrl.u32 s1, $0x2  }
0xbc: {  	s3 =	sand.u32 $0x4000, s31;
	s1 =	sadd.s32 s1, s30  }
0xbd: {  	s0 =	sor.u32 s3, s0;
	s1 =	sshll.u32 s1, $0x11  }
0xbe: {  	s0 =	sor.u32 s1, s0  }
0xbf: {  	s0 =	sadd.s32 $0x8F2B, s0  }
0xc0: {  	[sflag:s0] =	ssyncadd.remote.s32 $0x1  }
0xc1: {  	_ =	sfence.sel $0xFFFF  }
0xc2: {  	[dreg:$0x0] =	wrdreg $0xFFFFFFFF;
	(pc) =	sbr.abs _section_cstart, $3  }
0xc3: {  	[dreg:$0x1] =	wrdreg $0xFFFFFFFF  }
0xc4: {  	_ =	task.clear_ibuf [dreg:s9], $0x2FFFF;
	_ =	strace $0x9FFFFFFF  }
0xc5: {  	(tm) =	ssettm $0x7FFFFFFF  }
tec
execute0_lowered:
.L_overlay_start_1:
0x0: {  	(tag) =	ssettag $0x1  }
0x1: {  	s1 =	rddreg [dreg:$0x0]  }
0x2: {  	s6 =	rddreg [dreg:$0x1]  }
0x3: {  	s2 =	rddreg [dreg:$0x2]  }
0x4: {  	s3 =	srdreg.scid;
	s0 =	rddreg [dreg:$0x3]  }
0x5: {  	s4 =	simm.s32 $0x0;
	s14 =	simm.s32 $0x80;
	s15 =	simm.s32 $0x400  }
0x6: {  	s16 =	simm.s32 $0x800;
	s17 =	simm.s32 $0x1000;
	s18 =	simm.s32 $0x13000  }
0x7: {  	s19 =	simm.s32 $0x1;
	s20 =	simm.s32 $0x2;
	s21 =	simm.s32 $0x3  }
0x8: {  	s22 =	simm.s32 $0x4;
	s23 =	simm.s32 $0x0;
	s5 =	sand.u32 $0x1, s3  }
0x9: {  	v3 =	vlaneseq.u32;
	[smem:$0x7FF] =	sst s4;
	s3 =	stileid.u32;
	s7 =	sshll.u32 s5, $0x1  }
0xa: {  	v4 =	vimm.f32 $0.0e+00;
	v5 =	vimm.s32 $0x0;
	vm0 =	vmmov $0xffff;
	_ =	strace $0x80000047;
	s8 =	sshll.u32 s3, $0xB;
	s9 =	sshll.u32 s3, $0x7  }
0xb: {  	v7 =	vshrl.u32 v3, $0x3;
	v6 =	vand.u32 $0x7, v3;
	v8 =	vor.u32 $0x10, v3;
	s10 =	sshll.u32 s5, $0xB;
	s11 =	sshll.u32 s3, $0x11;
	s12 =	ssub.s32 $0x2, s5  }
0xc: {  	v9 =	vor.u32 $0x20, v3;
	v10 =	vor.u32 $0x30, v3;
	v11 =	vor.u32 $0x40, v3;
	s7 =	ssub.s32 $0x1, s7;
	s9 =	sor.u32 s9, s8;
	s5 =	sor.u32 s10, s11  }
.Ltmp0:
0xd: {  	v12 =	vor.u32 $0x50, v3;
	v13 =	vor.u32 $0x60, v3;
	v14 =	vor.u32 $0x70, v3;
	s29 =	sshrl.u32 s12, $0x1;
	s9 =	sand.u32 $0x4380, s9;
	(pc) =	sbr.rel .LBB2_1-.Ltmp0, $4  }
0xe: {  	v15 =	vor.u32 $0x400, v3;
	v16 =	vor.u32 $0x410, v3;
	v17 =	vor.u32 $0x420, v3;
	s10 =	sshrl.u32 s5, $0x3;
	s13 =	ssub.s32 s12, s29;
	s30 =	sshrl.u32 s9, $0x3  }
0xf: {  	v18 =	vor.u32 $0x430, v3;
	v19 =	vor.u32 $0x440, v3;
	v0 =	vmov s7;
	s31 =	sadd.s32 s10, s2;
	s13 =	smax.u32 s13, $0x1;
	s6 =	sadd.s32 s6, s30  }
0x10: {  	v20 =	vor.u32 $0x450, v3;
	v1 =	vmov s8;
	v2 =	vadd.s32 s8, v0;
	s7 =	sadd.s32 $0x1000, s31;
	s8 =	sadd.s32 $0x1800, s31;
	s9 =	sadd.s32 $0x2000, s31  }
0x11: {  	v21 =	vor.u32 $0x460, v3;
	v22 =	vor.u32 $0x470, v3;
	v7 =	vmul.u32 $0x8, v7;
	s10 =	sadd.s32 $0x2800, s31;
	s11 =	sadd.s32 $0x3000, s31;
	s12 =	sadd.s32 $0x3800, s31  }
.LBB2_29:
0x12: {  	[sflag:s22] =	ssyncadd.s32 $0xFFFFE000  }
.LBB2_30:
0x13: {  	s23 =	sadd.s32 $0x1, s23  }
0x14: {  	p0 =	sne.s32 s23, s13  }
.Ltmp1:
0x15: {  	_ = 	snop;
	(pc) =	sbr.rel @!p0 .LBB2_31-.Ltmp1, $1  }
0x16: {  	_ =	sdelay $0x3  }
.LBB2_1:
0x17: {  	[tilespmem:s4], [sflag:$0x1] =	stream.strided.gather [hbm4b:s6+s14], $0x800, s15, s14, $0x38;
	[tilespmem:$0x15000] =	vst v63  }
0x18: {  	[tilespmem:$0x800] =	vst v1  }
0x19: {  	[tilespmem:$0x810] =	vst v1  }
0x1a: {  	[tilespmem:$0x820] =	vst v1  }
0x1b: {  	[tilespmem:$0x830] =	vst v1  }
0x1c: {  	[tilespmem:$0x840] =	vst v1  }
0x1d: {  	[tilespmem:$0x850] =	vst v1  }
0x1e: {  	[tilespmem:$0x860] =	vst v1  }
0x1f: {  	[tilespmem:$0x870] =	vst v1  }
0x20: {  	[tilespmem:$0x880] =	vst v1  }
0x21: {  	[tilespmem:$0x890] =	vst v1  }
0x22: {  	[tilespmem:$0x8A0] =	vst v1  }
0x23: {  	[tilespmem:$0x8B0] =	vst v1  }
0x24: {  	[tilespmem:$0x8C0] =	vst v1  }
0x25: {  	[tilespmem:$0x8D0] =	vst v1  }
0x26: {  	s24 =	sand.u32 $0x1800, s4;
	s25 =	sand.u32 $0x380, s4;
	[tilespmem:$0x8E0] =	vst v1  }
0x27: {  	[tilespmem:$0x8F0] =	vst v1;
	s25 =	sor.u32 s25, s24  }
0x28: {  	s24 =	sadd.s32 $0x13000, s25;
	[tilespmem:s25+$0x13000] =	vst v4  }
0x29: {  	[tilespmem:s24+$0x10] =	vst v4  }
0x2a: {  	[tilespmem:s24+$0x20] =	vst v4  }
0x2b: {  	[tilespmem:s24+$0x30] =	vst v4  }
0x2c: {  	[tilespmem:s24+$0x40] =	vst v4  }
0x2d: {  	[tilespmem:s24+$0x50] =	vst v4  }
0x2e: {  	[tilespmem:s24+$0x60] =	vst v4  }
0x2f: {  	[tilespmem:s24+$0x70] =	vst v4  }
0x30: {  	[tilespmem:s24+$0x400] =	vst v4  }
0x31: {  	[tilespmem:s24+$0x410] =	vst v4  }
0x32: {  	[tilespmem:s24+$0x420] =	vst v4  }
0x33: {  	[tilespmem:s24+$0x430] =	vst v4  }
0x34: {  	[tilespmem:s24+$0x440] =	vst v4  }
0x35: {  	s26 =	simm.s32 $0x100;
	s25 =	simm.s32 $0x80;
	[tilespmem:s24+$0x450] =	vst v4  }
0x36: {  	s28 =	sand.u32 $0x1800, s26;
	s26 =	simm.s32 $0x200;
	s29 =	sand.u32 $0x380, s25;
	[tilespmem:s24+$0x460] =	vst v4  }
.LBB2_2:
0x37: {  	p0 =	sne.s32 s26, $0x1F00;
	s28 =	sor.u32 s29, s28;
	[tilespmem:s24+$0x470] =	vst v4  }
0x38: {  	s24 =	sadd.s32 $0x13000, s28;
	[tilespmem:s28+$0x13000] =	vst v4  }
0x39: {  	[tilespmem:s24+$0x10] =	vst v4  }
0x3a: {  	[tilespmem:s24+$0x20] =	vst v4  }
0x3b: {  	[tilespmem:s24+$0x30] =	vst v4  }
0x3c: {  	[tilespmem:s24+$0x40] =	vst v4  }
0x3d: {  	[tilespmem:s24+$0x50] =	vst v4  }
0x3e: {  	[tilespmem:s24+$0x60] =	vst v4  }
0x3f: {  	[tilespmem:s24+$0x70] =	vst v4  }
0x40: {  	[tilespmem:s24+$0x400] =	vst v4  }
0x41: {  	[tilespmem:s24+$0x410] =	vst v4  }
.Ltmp2:
0x42: {  	[tilespmem:s24+$0x420] =	vst v4;
	(pc) =	sbr.rel @p0 .LBB2_2-.Ltmp2, $4  }
0x43: {  	[tilespmem:s24+$0x430] =	vst v4  }
0x44: {  	[tilespmem:s24+$0x440] =	vst v4  }
0x45: {  	s25 =	sadd.s32 $0x80, s25;
	[tilespmem:s24+$0x450] =	vst v4  }
0x46: {  	s28 =	sand.u32 $0x1800, s26;
	s29 =	sand.u32 $0x380, s25;
	s26 =	sadd.s32 $0x100, s26;
	[tilespmem:s24+$0x460] =	vst v4  }
0x47: {  	s25 =	sor.u32 s29, s28;
	[tilespmem:s24+$0x470] =	vst v4  }
0x48: {  	s31 =	sadd.s32 $0x13000, s25;
	[tilespmem:s25+$0x13000] =	vst v4  }
0x49: {  	[tilespmem:s31+$0x10] =	vst v4  }
0x4a: {  	[tilespmem:s31+$0x20] =	vst v4  }
0x4b: {  	[tilespmem:s31+$0x30] =	vst v4  }
0x4c: {  	[tilespmem:s31+$0x40] =	vst v4  }
0x4d: {  	[tilespmem:s31+$0x50] =	vst v4  }
0x4e: {  	[tilespmem:s31+$0x60] =	vst v4  }
0x4f: {  	[tilespmem:s31+$0x70] =	vst v4  }
0x50: {  	[tilespmem:s31+$0x400] =	vst v4  }
0x51: {  	[tilespmem:s31+$0x410] =	vst v4  }
0x52: {  	[tilespmem:s31+$0x420] =	vst v4  }
0x53: {  	[tilespmem:s31+$0x430] =	vst v4  }
0x54: {  	[tilespmem:s31+$0x440] =	vst v4  }
0x55: {  	[tilespmem:s31+$0x450] =	vst v4  }
0x56: {  	[tilespmem:s31+$0x460] =	vst v4  }
0x57: {  	[tilespmem:s31+$0x470] =	vst v4  }
0x58: {  	[hbm4b:s7+s16] =	stream.strided.scatter [tilespmem:s18], [sflag:$0x3], $0x2000, s17, s16, $0x38;
	[tilespmem:$0x15000] =	vst v63  }
0x59: {  	_ = 	snop  }
0x5a: {  	[hbm4b:s8+s16] =	stream.strided.scatter [tilespmem:s18], [sflag:$0x3], $0x2000, s17, s16, $0x38;
	[tilespmem:$0x15000] =	vst v63  }
0x5b: {  	_ = 	snop  }
0x5c: {  	[hbm4b:s9+s16] =	stream.strided.scatter [tilespmem:s18], [sflag:$0x3], $0x2000, s17, s16, $0x38;
	[tilespmem:$0x15000] =	vst v63  }
0x5d: {  	_ = 	snop  }
0x5e: {  	[hbm4b:s10+s16] =	stream.strided.scatter [tilespmem:s18], [sflag:$0x3], $0x2000, s17, s16, $0x38;
	[tilespmem:$0x15000] =	vst v63  }
0x5f: {  	_ = 	snop  }
0x60: {  	[hbm4b:s11+s16] =	stream.strided.scatter [tilespmem:s18], [sflag:$0x3], $0x2000, s17, s16, $0x38;
	[tilespmem:$0x15000] =	vst v63  }
0x61: {  	_ = 	snop  }
0x62: {  	[hbm4b:s12+s16] =	stream.strided.scatter [tilespmem:s18], [sflag:$0x3], $0x2000, s17, s16, $0x38;
	[tilespmem:$0x15000] =	vst v63  }
0x63: {  	_ =	swait.ge [sflag:s19], $0x800  }
0x64: {  	s24 =	simm.s32 $0xFFFFFFFE;
	[sflag:s19] =	ssyncset.done $0x0  }
0x65: {  	v23 =	vimm.s32 $0x0;
	s26 =	simm.s32 $0x10;
	s25 =	simm.s32 $0x10;
	[sflag:s19] =	ssyncadd.s32 $0xFFFFF800  }
.LBB2_4:
0x66: {  	v24 =	vld [tilespmem:s26+$0xFFFFFFF0];
	_ =	sdelay $0x1  }
0x67: {  	s28 =	sadd.s32 $0xFFFFFFF0, s25  }
0x68: {  	v25 =	vor.u32 s28, v3  }
0x69: {  	v26 =	vadd.s32 v0, v25  }
0x6a: {  	vm2 =	vlt.u32 v26, $0x800;
	vm1 =	veq.s32 v24, $0x3  }
0x6b: {  	vm1 =	vmand vm2, vm1  }
0x6c: {  	v57 =	vsel vm1, $0x1, v5  }
0x6d: {  	(xrf0) =	vadd.scan.msk.s32 $0xffff, v57;
	_ =	sdelay $0x5  }
0x6e: {  	v24, _, _ =	vpop (xrf0)  }
0x6f: {  	v24 =	vadd.s32 v24, v23  }
0x70: {  	v24 =	vadd.s32 $0xFFFFFFFF, v24;
	_ =	sdelay $0x3  }
0x71: {  	v25 =	vadd.s32 v2, v25  }
0x72: {  	[tilespmem:v24+s16+$0x0] =	vst.idx.msk vm1, v25  }
0x73: {  	v24 =	vld [tilespmem:s26+$0x0];
	_ =	sdelay $0x2  }
0x74: {  	v58 =	vor.u32 s25, v3  }
0x75: {  	v59 =	vadd.s32 v0, v58  }
0x76: {  	vm3 =	vlt.u32 v59, $0x800;
	vm2 =	veq.s32 v24, $0x3  }
0x77: {  	vm2 =	vmand vm3, vm2  }
0x78: {  	v60 =	vsel vm2, $0x1, v5  }
0x79: {  	(xrf0) =	vadd.scan.msk.s32 $0xffff, v60;
	_ =	sdelay $0x3  }
0x7a: {  	v61 =	vmpcnt.ones.xlane vm1;
	_ =	sdelay $0x1  }
0x7b: {  	v23 =	vadd.s32 v23, v61;
	v62, _, _ =	vpop (xrf0)  }
0x7c: {  	s24 =	sadd.s32 $0x2, s24;
	v24 =	vadd.s32 v62, v23  }
0x7d: {  	p0 =	slt.u32 s24, $0x7E;
	v24 =	vadd.s32 $0xFFFFFFFF, v24  }
.Ltmp3:
0x7e: {  	_ = 	snop;
	(pc) =	sbr.rel @p0 .LBB2_4-.Ltmp3, $4  }
0x7f: {  	_ = 	snop  }
0x80: {  	v63 =	vmpcnt.ones.xlane vm2  }
0x81: {  	v25 =	vadd.s32 v2, v58  }
0x82: {  	s25 =	sadd.s32 $0x20, s25;
	s26 =	sadd.s32 $0x20, s26;
	v23 =	vadd.s32 v23, v63;
	[tilespmem:v24+s16+$0x0] =	vst.idx.msk vm2, v25  }
0x83: {  	v23 =	vxor.u32 $0x80000000, v23  }
0x84: {  	(xrf0) =	vmax.scan.msk.u32 $0xffff, v23;
	_ =	sdelay $0x5  }
0x85: {  	v23, _, _ =	vpop (xrf0)  }
0x86: {  	(v2sf) =	vpush v23, $0xF;
	_ =	sdelay $0xe  }
0x87: {  	s24 =	spop (v2sf)  }
0x88: {  	s24 =	sxor.u32 $0x80000000, s24  }
0x89: {  	p0 =	slt.s32 s24, $0x100;
	s26 =	smov.u32 s24  }
0x8a: {  	s26 =	simm.s32 @!p0 $0x100  }
0x8b: {  	s25 =	sadd.s32 $0x7, s26  }
0x8c: {  	s28 =	sand.u32 $0x7, s25  }
0x8d: {  	p1 =	slt.s32 s24, $0xFFFFFFFA;
	p6 =	sne.s32 s28, $0x0;
	s28 =	sshra.s32 s25, $0x1F  }
0x8e: {  	s28 =	sshrl.u32 s28, $0x1D;
	p0 =	por !p1, !p6  }
0x8f: {  	s25 =	sadd.s32 s28, s25;
	p0 =	por !p0, !p0;
	s28 =	simm.s32 $0x1  }
0x90: {  	s25 =	sshra.s32 s25, $0x3;
	s28 =	simm.s32 @!p0 $0x0  }
0x91: {  	s28 =	ssub.s32 s25, s28  }
0x92: {  	p0 =	slt.s32 s28, $0x1  }
.Ltmp4:
0x93: {  	_ = 	snop;
	(pc) =	sbr.rel @p0 .LBB2_12-.Ltmp4, $1  }
0x94: {  	_ =	sdelay $0x3  }
0x95: {  	p1 =	sne.s32 s28, $0x1  }
.Ltmp5:
0x96: {  	_ = 	snop;
	(pc) =	sbr.rel @!p1 .LBB2_7-.Ltmp5, $3  }
0x97: {  	_ =	sdelay $0x1  }
0x98: {  	s29 =	simm.s32 $0x800  }
0x99: {  	s25 =	simm.s32 $0x1000;
	p0 =	por $0x0, $0x0;
	v23 =	vld.msk [tilespmem:s29+$0x0], $0xff;
	s29 =	sadd.s32 $0xFFFFFFFF, s28  }
0x9a: {  	_ =	sdelay $0x3  }
0x9b: {  	v24 =	vshll.u32 v23, $0x1  }
0x9c: {  	v23 =	vand.u32 $0x7, v23;
	v24 =	vand.u32 $0xFFFFFFF0, v24  }
0x9d: {  	v23 =	vor.u32 v23, v24  }
0x9e: {  	v23 =	vperm.xlane v23, v6;
	_ =	sdelay $0x1  }
0x9f: {  	v23 =	vadd.s32 v7, v23  }
0xa0: {  	p1 =	sne.s32 s29, $0x1  }
.Ltmp6:
0xa1: {  	_ = 	snop;
	(pc) =	sbr.rel @!p1 .LBB2_9-.Ltmp6, $4  }
0xa2: {  	_ = 	snop  }
0xa3: {  	s30 =	simm.s32 $0x808  }
0xa4: {  	[tilespmem:s25], [sflag:$0x2] =	stream.indirect_vreg.gather [hbm4b:s1+s4], $0x80, v23, vm0, $0xb8;
	[tilespmem:$0x15000] =	vst v63  }
0xa5: {  	s31 =	sadd.s32 $0xFFFFFFFF, s29;
	p0 =	por $0x1, $0x1;
	s29 =	simm.s32 $0x1000;
	v23 =	vld.msk [tilespmem:s30+$0x0], $0xff  }
.LBB2_10:
0xa6: {  	p1 =	sne.s32 s31, $0x1;
	_ =	sdelay $0x3  }
0xa7: {  	v24 =	vshll.u32 v23, $0x1  }
0xa8: {  	v23 =	vand.u32 $0x7, v23;
	v24 =	vand.u32 $0xFFFFFFF0, v24  }
0xa9: {  	v23 =	vor.u32 v23, v24  }
0xaa: {  	v23 =	vperm.xlane v23, v6;
	_ =	sdelay $0x1  }
0xab: {  	v23 =	vadd.s32 v7, v23;
	_ =	sdelay $0x1  }
.Ltmp7:
0xac: {  	(pc) =	sbr.rel @p1 .LBB2_10-.Ltmp7, $4  }
0xad: {  	_ = 	snop  }
0xae: {  	s30 =	sadd.s32 $0x8, s30;
	s29 =	sadd.s32 $0x800, s29  }
0xaf: {  	[tilespmem:s29], [sflag:$0x2] =	stream.indirect_vreg.gather [hbm4b:s1+s4], $0x80, v23, vm0, $0xb8;
	[tilespmem:$0x15000] =	vst v63  }
0xb0: {  	s31 =	sadd.s32 $0xFFFFFFFF, s31;
	v23 =	vld.msk [tilespmem:s30+$0x0], $0xff  }
.LBB2_11:
0xb1: {  	_ =	sdelay $0x3  }
0xb2: {  	v24 =	vshll.u32 v23, $0x1  }
0xb3: {  	v23 =	vand.u32 $0x7, v23;
	v24 =	vand.u32 $0xFFFFFFF0, v24  }
0xb4: {  	v23 =	vor.u32 v23, v24  }
0xb5: {  	v23 =	vperm.xlane v23, v6;
	_ =	sdelay $0x1  }
0xb6: {  	v23 =	vadd.s32 v7, v23;
	_ =	sdelay $0x2  }
0xb7: {  	s29 =	sadd.s32 @p0 $0x800, s29  }
0xb8: {  	s25 =	smov.u32 @p0 s29  }
0xb9: {  	[tilespmem:s25], [sflag:$0x2] =	stream.indirect_vreg.gather [hbm4b:s1+s4], $0x80, v23, vm0, $0xb8;
	[tilespmem:$0x15000] =	vst v63  }
.LBB2_12:
0xba: {  	s25 =	sadd.s32 $0x1F, s26  }
0xbb: {  	s29 =	sand.u32 $0x1F, s25  }
0xbc: {  	p0 =	slt.s32 s24, $0xFFFFFFE2;
	s31 =	sshra.s32 s25, $0x1F;
	p1 =	sne.s32 s29, $0x0  }
0xbd: {  	s24 =	sshrl.u32 s31, $0x1B;
	p0 =	por !p0, !p1  }
0xbe: {  	s24 =	sadd.s32 s24, s25;
	s25 =	simm.s32 $0x1;
	p0 =	por !p0, !p0  }
0xbf: {  	s24 =	sshra.s32 s24, $0x5;
	s25 =	simm.s32 @!p0 $0x0  }
0xc0: {  	s24 =	ssub.s32 s24, s25  }
0xc1: {  	p1 =	sgt.s32 s24, $0x1  }
.Ltmp8:
0xc2: {  	_ = 	snop;
	(pc) =	sbr.rel @p1 .LBB2_16-.Ltmp8, $3  }
0xc3: {  	_ =	sdelay $0x1  }
0xc4: {  	p0 =	slt.s32 s24, $0x2;
	s25 =	smov.u32 s24  }
0xc5: {  	s25 =	simm.s32 @!p0 $0x2  }
0xc6: {  	s29 =	ssub.s32 $0x2, s25  }
0xc7: {  	p0 =	seq.s32 s29, $0x1  }
.Ltmp9:
0xc8: {  	_ = 	snop;
	(pc) =	sbr.rel @p0 .LBB2_15-.Ltmp9, $4  }
0xc9: {  	s30 =	sshll.u32 s25, $0xE  }
0xca: {  	s30 =	sadd.s32 s30, s5  }
0xcb: {  	s31 =	sshrl.u32 s30, $0x3  }
0xcc: {  	s29 =	sadd.s32 $0xFFFFFFFF, s29;
	s30 =	sadd.s32 $0x4000, s30;
	s31 =	sadd.s32 s2, s31  }
.LBB2_14:
0xcd: {  	[hbm4b:s31+s16] =	stream.strided.scatter [tilespmem:s18], [sflag:$0x3], $0x2000, s17, s16, $0x38;
	[tilespmem:$0x15000] =	vst v63  }
0xce: {  	p0 =	seq.s32 s29, $0x1  }
.Ltmp10:
0xcf: {  	s29 =	sadd.s32 $0xFFFFFFFF, s29;
	(pc) =	sbr.rel @!p0 .LBB2_14-.Ltmp10, $3  }
0xd0: {  	_ =	sdelay $0x1  }
0xd1: {  	s31 =	sshrl.u32 s30, $0x3  }
0xd2: {  	s30 =	sadd.s32 $0x4000, s30;
	s31 =	sadd.s32 s2, s31  }
.LBB2_15:
0xd3: {  	[hbm4b:s31+s16] =	stream.strided.scatter [tilespmem:s18], [sflag:$0x3], $0x2000, s17, s16, $0x38;
	[tilespmem:$0x15000] =	vst v63  }
.LBB2_16:
0xd4: {  	p0 =	sgt.s32 s28, $0x0  }
.Ltmp11:
0xd5: {  	_ = 	snop;
	(pc) =	sbr.rel @!p0 .LBB2_20-.Ltmp11, $1  }
0xd6: {  	_ =	sdelay $0x3  }
0xd7: {  	p0 =	sne.s32 s28, $0x1  }
.Ltmp12:
0xd8: {  	_ = 	snop;
	(pc) =	sbr.rel @!p0 .LBB2_19-.Ltmp12, $3  }
0xd9: {  	_ =	sdelay $0x1  }
0xda: {  	_ =	swait.ge [sflag:s20], $0x800  }
0xdb: {  	s28 =	sadd.s32 $0xFFFFFFFF, s28;
	[sflag:s20] =	ssyncset.done $0x0  }
.LBB2_18:
0xdc: {  	p0 =	sne.s32 s28, $0x1;
	s28 =	sadd.s32 $0xFFFFFFFF, s28;
	[sflag:s20] =	ssyncadd.s32 $0xFFFFF800  }
.Ltmp13:
0xdd: {  	(pc) =	sbr.rel @p0 .LBB2_18-.Ltmp13, $3  }
0xde: {  	_ =	sdelay $0x1  }
0xdf: {  	_ =	swait.ge [sflag:s20], $0x800  }
0xe0: {  	[sflag:s20] =	ssyncset.done $0x0  }
.LBB2_19:
0xe1: {  	[sflag:s20] =	ssyncadd.s32 $0xFFFFF800  }
.LBB2_20:
0xe2: {  	s28 =	ssub.s32 $0x0, s26  }
0xe3: {  	s28 =	sand.u32 $0x1F, s28  }
0xe4: {  	p0 =	sne.s32 s28, $0x0  }
.Ltmp14:
0xe5: {  	_ = 	snop;
	(pc) =	sbr.rel @!p0 .LBB2_21-.Ltmp14, $1  }
0xe6: {  	_ =	sdelay $0x3  }
0xe7: {  	v23 =	vmov s26  }
0xe8: {  	v24 =	vshll.u32 v23, $0x8;
	v23 =	vshll.u32 v23, $0x7  }
0xe9: {  	v24 =	vand.u32 $0xFFFFF800, v24;
	v23 =	vand.u32 $0x380, v23  }
0xea: {  	v23 =	vor.u32 v23, v24  }
0xeb: {  	v24 =	vor.u32 v3, v23  }
0xec: {  	v25 =	vor.u32 v8, v23  }
0xed: {  	v26 =	vor.u32 v9, v23  }
0xee: {  	v27 =	vor.u32 v10, v23  }
0xef: {  	v29 =	vor.u32 v11, v23  }
0xf0: {  	[tilespmem:v24+s17+$0x0] =	vst.idx.msk $0xffff, v4  }
0xf1: {  	v30 =	vor.u32 v12, v23;
	[tilespmem:v25+s17+$0x0] =	vst.idx.msk $0xffff, v4  }
0xf2: {  	p0 =	seq.s32 s28, $0x1;
	v25 =	vor.u32 v13, v23;
	[tilespmem:v26+s17+$0x0] =	vst.idx.msk $0xffff, v4  }
.Ltmp15:
0xf3: {  	v28 =	vor.u32 v14, v23;
	[tilespmem:v27+s17+$0x0] =	vst.idx.msk $0xffff, v4;
	(pc) =	sbr.rel @p0 .LBB2_34-.Ltmp15, $4  }
0xf4: {  	[tilespmem:v29+s17+$0x0] =	vst.idx.msk $0xffff, v4;
	v29 =	vor.u32 v15, v23  }
0xf5: {  	v26 =	vor.u32 v16, v23  }
0xf6: {  	v27 =	vor.u32 v17, v23;
	[tilespmem:v30+s17+$0x0] =	vst.idx.msk $0xffff, v4  }
0xf7: {  	s28 =	sadd.s32 $0xFFFFFFFF, s28;
	s26 =	sadd.s32 $0x1, s26;
	v24 =	vor.u32 v19, v23;
	[tilespmem:v25+s17+$0x0] =	vst.idx.msk $0xffff, v4;
	v25 =	vor.u32 v18, v23  }
.LBB2_33:
0xf8: {  	v30 =	vmov s26;
	p0 =	seq.s32 s28, $0x1;
	s28 =	sadd.s32 $0xFFFFFFFF, s28;
	[tilespmem:v28+s17+$0x0] =	vst.idx.msk $0xffff, v4  }
0xf9: {  	v28 =	vshll.u32 v30, $0x8;
	v30 =	vshll.u32 v30, $0x7;
	[tilespmem:v29+s17+$0x0] =	vst.idx.msk $0xffff, v4;
	v29 =	vor.u32 v20, v23  }
0xfa: {  	v28 =	vand.u32 $0xFFFFF800, v28;
	v30 =	vand.u32 $0x380, v30;
	[tilespmem:v26+s17+$0x0] =	vst.idx.msk $0xffff, v4;
	v26 =	vor.u32 v21, v23  }
0xfb: {  	[tilespmem:v27+s17+$0x0] =	vst.idx.msk $0xffff, v4;
	v27 =	vor.u32 v22, v23;
	v23 =	vor.u32 v30, v28  }
0xfc: {  	v28 =	vor.u32 v3, v23;
	v30 =	vor.u32 v19, v23;
	[tilespmem:v25+s17+$0x0] =	vst.idx.msk $0xffff, v4  }
0xfd: {  	v25 =	vor.u32 v8, v23;
	[tilespmem:v24+s17+$0x0] =	vst.idx.msk $0xffff, v4;
	v24 =	vmov v30  }
0xfe: {  	v30 =	vor.u32 v9, v23;
	[tilespmem:v29+s17+$0x0] =	vst.idx.msk $0xffff, v4  }
0xff: {  	v29 =	vor.u32 v10, v23;
	[tilespmem:v26+s17+$0x0] =	vst.idx.msk $0xffff, v4  }
0x100: {  	v26 =	vor.u32 v11, v23;
	[tilespmem:v27+s17+$0x0] =	vst.idx.msk $0xffff, v4  }
0x101: {  	v27 =	vor.u32 v12, v23;
	[tilespmem:v28+s17+$0x0] =	vst.idx.msk $0xffff, v4  }
0x102: {  	[tilespmem:v25+s17+$0x0] =	vst.idx.msk $0xffff, v4;
	v25 =	vor.u32 v13, v23  }
.Ltmp16:
0x103: {  	v28 =	vor.u32 v14, v23;
	[tilespmem:v30+s17+$0x0] =	vst.idx.msk $0xffff, v4;
	(pc) =	sbr.rel @!p0 .LBB2_33-.Ltmp16, $4  }
0x104: {  	[tilespmem:v29+s17+$0x0] =	vst.idx.msk $0xffff, v4;
	v29 =	vor.u32 v15, v23  }
0x105: {  	[tilespmem:v26+s17+$0x0] =	vst.idx.msk $0xffff, v4;
	v26 =	vor.u32 v16, v23  }
0x106: {  	[tilespmem:v27+s17+$0x0] =	vst.idx.msk $0xffff, v4;
	v27 =	vor.u32 v17, v23  }
0x107: {  	s26 =	sadd.s32 $0x1, s26;
	[tilespmem:v25+s17+$0x0] =	vst.idx.msk $0xffff, v4;
	v25 =	vor.u32 v18, v23  }
.LBB2_34:
0x108: {  	_ =	sdelay $0x3  }
0x109: {  	[tilespmem:v28+s17+$0x0] =	vst.idx.msk $0xffff, v4  }
0x10a: {  	v62 =	vor.u32 v20, v23;
	[tilespmem:v29+s17+$0x0] =	vst.idx.msk $0xffff, v4  }
0x10b: {  	v63 =	vor.u32 v21, v23;
	[tilespmem:v26+s17+$0x0] =	vst.idx.msk $0xffff, v4  }
0x10c: {  	v23 =	vor.u32 v22, v23;
	[tilespmem:v27+s17+$0x0] =	vst.idx.msk $0xffff, v4  }
0x10d: {  	[tilespmem:v25+s17+$0x0] =	vst.idx.msk $0xffff, v4  }
0x10e: {  	[tilespmem:v24+s17+$0x0] =	vst.idx.msk $0xffff, v4  }
0x10f: {  	[tilespmem:v62+s17+$0x0] =	vst.idx.msk $0xffff, v4  }
0x110: {  	[tilespmem:v63+s17+$0x0] =	vst.idx.msk $0xffff, v4  }
0x111: {  	[tilespmem:v23+s17+$0x0] =	vst.idx.msk $0xffff, v4  }
.LBB2_21:
0x112: {  	p0 =	sgt.s32 s24, $0x0  }
.Ltmp17:
0x113: {  	_ = 	snop;
	(pc) =	sbr.rel @!p0 .LBB2_24-.Ltmp17, $2  }
0x114: {  	_ =	sdelay $0x2  }
0x115: {  	s26 =	simm.s32 $0x1000  }
0x116: {  	p1 =	sne.s32 s24, $0x1  }
.Ltmp18:
0x117: {  	_ = 	snop;
	(pc) =	sbr.rel @!p1 .LBB2_24-.Ltmp18, $4  }
0x118: {  	s28 =	sshrl.u32 s5, $0x3  }
0x119: {  	s28 =	sadd.s32 s2, s28  }
0x11a: {  	[hbm4b:s28+s16] =	stream.strided.scatter [tilespmem:s26], [sflag:$0x4], $0x2000, s17, s16, $0x38;
	[tilespmem:$0x15000] =	vst v63  }
0x11b: {  	s29 =	sadd.s32 $0x4000, s5;
	s28 =	sadd.s32 $0xFFFFFFFF, s24  }
.LBB2_23:
0x11c: {  	s30 =	sshrl.u32 s29, $0x3;
	p1 =	sne.s32 s28, $0x1;
	s28 =	sadd.s32 $0xFFFFFFFF, s28  }
.Ltmp19:
0x11d: {  	s26 =	sadd.s32 $0x2000, s26;
	s30 =	sadd.s32 s2, s30;
	(pc) =	sbr.rel @p1 .LBB2_23-.Ltmp19, $3  }
0x11e: {  	[hbm4b:s30+s16] =	stream.strided.scatter [tilespmem:s26], [sflag:$0x4], $0x2000, s17, s16, $0x38;
	[tilespmem:$0x15000] =	vst v63  }
0x11f: {  	_ =	sdelay $0x1  }
0x120: {  	s29 =	sadd.s32 $0x4000, s29  }
.LBB2_24:
0x121: {  	s25 =	ssub.s32 $0x8, s25  }
0x122: {  	p1 =	seq.s32 s25, $0x1  }
.Ltmp20:
0x123: {  	_ = 	snop;
	(pc) =	sbr.rel @p1 .LBB2_26-.Ltmp20, $3  }
0x124: {  	_ =	sdelay $0x1  }
0x125: {  	_ =	swait.ge [sflag:s21], $0x2000  }
0x126: {  	s25 =	sadd.s32 $0xFFFFFFFF, s25;
	[sflag:s21] =	ssyncset.done $0x0  }
.LBB2_25:
0x127: {  	p1 =	seq.s32 s25, $0x1;
	s25 =	sadd.s32 $0xFFFFFFFF, s25;
	[sflag:s21] =	ssyncadd.s32 $0xFFFFE000  }
.Ltmp21:
0x128: {  	(pc) =	sbr.rel @!p1 .LBB2_25-.Ltmp21, $3  }
0x129: {  	_ =	sdelay $0x1  }
0x12a: {  	_ =	swait.ge [sflag:s21], $0x2000  }
0x12b: {  	[sflag:s21] =	ssyncset.done $0x0  }
.LBB2_26:
.Ltmp22:
0x12c: {  	(pc) =	sbr.rel @!p0 .LBB2_30-.Ltmp22, $2  }
0x12d: {  	_ =	sdelay $0x2  }
0x12e: {  	[sflag:s21] =	ssyncadd.s32 $0xFFFFE000  }
0x12f: {  	p0 =	sne.s32 s24, $0x1  }
.Ltmp23:
0x130: {  	_ = 	snop;
	(pc) =	sbr.rel @!p0 .LBB2_29-.Ltmp23, $3  }
0x131: {  	_ =	sdelay $0x1  }
0x132: {  	_ =	swait.ge [sflag:s22], $0x2000  }
0x133: {  	s24 =	sadd.s32 $0xFFFFFFFF, s24;
	[sflag:s22] =	ssyncset.done $0x0  }
.LBB2_28:
0x134: {  	p0 =	sne.s32 s24, $0x1;
	s24 =	sadd.s32 $0xFFFFFFFF, s24;
	[sflag:s22] =	ssyncadd.s32 $0xFFFFE000  }
.Ltmp24:
0x135: {  	(pc) =	sbr.rel @p0 .LBB2_28-.Ltmp24, $3  }
0x136: {  	_ =	sdelay $0x1  }
0x137: {  	_ =	swait.ge [sflag:s22], $0x2000  }
0x138: {  	[sflag:s22] =	ssyncset.done $0x0  }
.Ltmp25:
0x139: {  	_ = 	snop;
	(pc) =	sbr.rel .LBB2_29-.Ltmp25, $1  }
0x13a: {  	_ =	sdelay $0x3  }
.LBB2_7:
.Ltmp26:
0x13b: {  	(pc) =	sbr.rel .LBB2_11-.Ltmp26, $2  }
0x13c: {  	_ =	sdelay $0x2  }
0x13d: {  	s29 =	simm.s32 $0x1000  }
.LBB2_9:
.Ltmp27:
0x13e: {  	(pc) =	sbr.rel .LBB2_11-.Ltmp27, $2  }
0x13f: {  	_ =	sdelay $0x2  }
0x140: {  	s29 =	simm.s32 $0x1000  }
.LBB2_31:
0x141: {  	_ =	sfence.sel $0x180000  }
0x142: {  	[bflag:$0x0] =	sbarrier.arrive $0xFFFF  }
0x143: {  	p0 =	sne.s32 s3, $0x0;
	_ =	strace $0x90000047  }
0x144: {  	s0 =	sadd.s32 @!p0 $0x100000, s0;
	[bflag:$0x2] =	sbarrier.arrive $0xFFFF  }
0x145: {  	[sflag:s0] =	ssyncadd.tile.s32 @!p0 $0x1;
	_ =	shalt  }
.Lfunc_end2:
_tile_overlayer_lowered:
.L_overlay_start_2:
0x146: {  	(tag) =	ssettag $0x2  }
0x147: {  	s0 =	rddreg [dreg:$0x0];
	s2 =	stileid.u32  }
0x148: {  	s1 =	rddreg [dreg:$0x1];
	p0 =	sne.s32 s2, $0x0  }
0x149: {  	s3 =	rddreg [dreg:$0x2];
	[bflag:$0x3] =	sbarrier.arrive $0xFFFF;
	s2 =	simm.s32 @!p0 $0x1C05  }
0x14a: {  	[timem:s3], [sflag:s2] =	dma.local @!p0 [hbm:s0], s1  }
0x14b: {  	s0 =	simm.s32 @!p0 $0x5  }
0x14c: {  	_ =	swait.ge @!p0 [sflag:s0], s1  }
0x14d: {  	s1 =	ssub.s32 @!p0 $0x0, s1;
	[sflag:s0] =	ssyncset.done @!p0 $0x0  }
0x14e: {  	[sflag:s0] =	ssyncadd.s32 @!p0 s1  }
0x14f: {  	[bflag:$0x3] =	sbarrier.arrive $0xFFFF  }
0x150: {  	_ =	shalt  }

</sc_bundles>
